<compile_context>
chip_gen: v7x
topology: tpu7x:2x2x1
jax: 0.10.2.dev20260603
libtpu: 0.0.44.dev20260713+nightly
codegen_flags: <defaults>
</compile_context>

<pallas_src>
import functools

import jax
import jax.numpy as jnp
from jax import lax
from jax.experimental import pallas as pl
from jax.experimental.pallas import tpu as pltpu
from jax.experimental.pallas import tpu_sc as plsc


_DN = (((1,), (1,)), ((), ()))


def _route_body(syms_ref, wq_ref, g_ref, cnt_ref):
    T_, N_, _ = syms_ref.shape
    wq = wq_ref[...]
    bv = lax.dot_general(wq, syms_ref[0], _DN,
                         preferred_element_type=jnp.float32)
    bi = jnp.zeros((1, N_), jnp.int32)
    for t in range(1, T_):
        rt = lax.dot_general(wq, syms_ref[t], _DN,
                             preferred_element_type=jnp.float32)
        upd = rt > bv
        bv = jnp.where(upd, rt, bv)
        bi = jnp.where(upd, t, bi)
    pos = lax.broadcasted_iota(jnp.int32, (1, N_), 1)
    g_ref[...] = bi * N_ + pos
    tvec = lax.broadcasted_iota(jnp.int32, (T_, 1), 0)
    oh = (bi == tvec).astype(jnp.int32)
    cnt_ref[...] = jnp.sum(oh, axis=1, keepdims=True)


def _route_call(syms16, wq16):
    T_, N_, D_ = syms16.shape
    return pl.pallas_call(
        _route_body,
        out_shape=[
            jax.ShapeDtypeStruct((1, N_), jnp.int32),
            jax.ShapeDtypeStruct((T_, 1), jnp.int32),
        ],
    )(syms16, wq16)


_NW = 32


def _sc_gather(table, g_idx, ch, tc_tiling=True):
    n_rows = g_idx.shape[0]
    lat = table.shape[1]
    b_per_w = n_rows // _NW
    nch = b_per_w // ch
    mesh = plsc.VectorSubcoreMesh(core_axis_name="core",
                                  subcore_axis_name="subcore")

    @functools.partial(
        pl.kernel,
        out_type=jax.ShapeDtypeStruct((n_rows, lat), jnp.float32),
        mesh=mesh,
        compiler_params=pltpu.CompilerParams(
            use_tc_tiling_on_sc=tc_tiling),
        scratch_types=[
            pltpu.VMEM((b_per_w,), jnp.int32),
            pltpu.VMEM((ch, lat), jnp.float32),
            pltpu.VMEM((ch, lat), jnp.float32),
            pltpu.SemaphoreType.DMA,
            pltpu.SemaphoreType.DMA,
            pltpu.SemaphoreType.DMA,
            pltpu.SemaphoreType.DMA,
        ],
    )
    def gk(x_hbm, i_hbm, o_hbm, idx_v, rows0, rows1, si0, si1, so0, so1):
        wid = lax.axis_index("subcore") * 2 + lax.axis_index("core")
        base = wid * b_per_w
        pltpu.sync_copy(i_hbm.at[pl.ds(base, b_per_w)], idx_v)

        bufs = (rows0, rows1)
        sis = (si0, si1)
        sos = (so0, so1)
        gin = [None] * nch
        gout = [None] * nch
        for c in range(nch):
            b = c % 2
            if c >= 2:
                gout[c - 2].wait()
            gin[c] = pltpu.async_copy(
                x_hbm.at[idx_v.at[pl.ds(c * ch, ch)]], bufs[b], sis[b])
            if c >= 1:
                gin[c - 1].wait()
                gout[c - 1] = pltpu.async_copy(
                    bufs[1 - b], o_hbm.at[pl.ds(base + (c - 1) * ch, ch)],
                    sos[1 - b])
        gin[nch - 1].wait()
        gout[nch - 1] = pltpu.async_copy(
            bufs[(nch - 1) % 2],
            o_hbm.at[pl.ds(base + (nch - 1) * ch, ch)], sos[(nch - 1) % 2])
        if nch >= 2:
            gout[nch - 2].wait()
        gout[nch - 1].wait()

    return gk(table, g_idx)


_RB = 512
_CK = 1024


def _dense_body(ts_ref, bc_ref, wr16_ref, br_ref, ws16_ref, bs_ref,
                wc1a16_ref, wc1b16_ref, bc1_ref, wc216_ref, bc2_ref,
                cb16_ref, csq_ref,
                out_ref, idx_ref):
    f32 = jnp.float32
    bf16 = jnp.bfloat16
    ts = ts_ref[...]
    z16 = jnp.concatenate([ts, bc_ref[...]], axis=1).astype(bf16)
    zr = lax.dot_general(z16, wr16_ref[...], _DN,
                         preferred_element_type=f32) + br_ref[...]
    zr16 = zr.astype(bf16)
    raw = lax.dot_general(zr16, ws16_ref[...], _DN,
                          preferred_element_type=f32) + bs_ref[...]
    R = raw.shape[0]
    ncb = cb16_ref.shape[0]
    xsq = jnp.sum(raw * raw, axis=1, keepdims=True)
    raw16 = raw.astype(bf16)
    lane = lax.broadcasted_iota(jnp.int32, (R, _CK), 1)
    dn_nt = (((1,), (0,)), ((), ()))
    best = jnp.full((R, 1), jnp.inf, f32)
    bidx = jnp.zeros((R, 1), jnp.int32)
    q = jnp.zeros((R, cb16_ref.shape[1]), f32)
    for k in range(ncb // _CK):
        cb16 = cb16_ref[k * _CK:(k + 1) * _CK, :]
        csq = csq_ref[0:1, k * _CK:(k + 1) * _CK]
        d2 = (xsq + csq) - 2.0 * lax.dot_general(
            raw16, cb16, _DN, preferred_element_type=f32)
        m = jnp.min(d2, axis=1, keepdims=True)
        a = jnp.min(jnp.where(d2 <= m, lane, _CK), axis=1, keepdims=True)
        oh = (lane == a).astype(bf16)
        qk = lax.dot_general(oh, cb16, dn_nt, preferred_element_type=f32)
        upd = m < best
        best = jnp.where(upd, m, best)
        bidx = jnp.where(upd, a + k * _CK, bidx)
        q = jnp.where(upd, qk, q)
    h = (lax.dot_general(zr16, wc1a16_ref[...], _DN,
                         preferred_element_type=f32)
         + lax.dot_general(q.astype(bf16), wc1b16_ref[...], _DN,
                           preferred_element_type=f32)
         + bc1_ref[...])
    h16 = jnp.maximum(h, 0.0).astype(bf16)
    out = (lax.dot_general(h16, wc216_ref[...], _DN,
                           preferred_element_type=f32)
           + bc2_ref[...] + ts)
    out_ref[...] = out
    idx_ref[...] = bidx


def _dense_call(ts, bc, wr16, br2, ws16, bs2, wc1a16, wc1b16, bc12, wc216,
                bc22, cb16, csq):
    n_, lat = ts.shape
    grid = (n_ // _RB,)
    row_spec = pl.BlockSpec((_RB, lat), lambda i: (i, 0))
    full = lambda arr: pl.BlockSpec(arr.shape, lambda i: (0, 0))
    return pl.pallas_call(
        _dense_body,
        grid=grid,
        in_specs=[
            row_spec,
            row_spec,
            full(wr16), full(br2), full(ws16), full(bs2),
            full(wc1a16), full(wc1b16), full(bc12), full(wc216), full(bc22),
            full(cb16), full(csq),
        ],
        out_specs=[
            row_spec,
            pl.BlockSpec((_RB, 1), lambda i: (i, 0)),
        ],
        out_shape=[
            jax.ShapeDtypeStruct((n_, lat), jnp.float32),
            jax.ShapeDtypeStruct((n_, 1), jnp.int32),
        ],
    )(ts, bc, wr16, br2, ws16, bs2, wc1a16, wc1b16, bc12, wc216, bc22,
      cb16, csq)


def kernel(token_state, bus_symbols, bus_indices, bus_outputs, bus_mask,
           Wq, bq, Wr, br, Ws, bs, Wc1, bc1, Wc2, bc2, codebook):
    Bb, Ss, lat = token_state.shape
    T_, _, _, D_ = bus_symbols.shape
    N_ = Bb * Ss

    bf16 = jnp.bfloat16
    syms16 = bus_symbols.reshape(T_, N_, D_).astype(bf16)
    table = bus_outputs.reshape(T_ * N_, lat)

    g_idx, counts = _route_call(syms16, Wq.astype(bf16))
    keep_mask = counts[:, 0] == 0

    bus_context = _sc_gather(table, g_idx.reshape(N_), ch=32)

    csq = jnp.sum(codebook ** 2, axis=1).reshape(1, -1)
    cb16 = codebook.astype(bf16)
    node_out, idx = _dense_call(
        token_state.reshape(N_, lat), bus_context,
        Wr.astype(bf16), br.reshape(1, lat),
        Ws.astype(bf16), bs.reshape(1, D_),
        Wc1[:, :lat].astype(bf16), Wc1[:, lat:].astype(bf16),
        bc1.reshape(1, lat),
        Wc2.astype(bf16), bc2.reshape(1, lat),
        cb16, csq)
    quant = _sc_gather(codebook, idx.reshape(N_), ch=128,
                       tc_tiling=False)

    return (node_out.reshape(Bb, Ss, lat),
            quant.reshape(Bb, Ss, D_),
            idx.reshape(Bb, Ss),
            keep_mask)

# --- scband reference (transcript-rebuilt; emitter-appended) ---
"""Pipeline reference for scband-bus-node-8581344657619 (READ-ONLY COPY).

The authoritative reference and input builder live on the scoring server;
editing this copy changes nothing except your own understanding.
"""

import jax, jax.numpy as jnp
import numpy as np

LATENT = 1024
SYM = 64
CODES = 8192
T = 8
B = 2
S = 2048

def setup_inputs(seed: int = 0) -> dict:
    key = jax.random.key(seed)
    ks = jax.random.split(key, 16)
    token_state = jax.random.normal(ks[0], (B, S, LATENT), dtype=jnp.float32)
    bus_symbols = jax.random.normal(ks[1], (T, B, S, SYM), dtype=jnp.float32)
    bus_indices = jax.random.randint(ks[2], (T, B, S), 0, CODES, dtype=jnp.int64) if jax.config.jax_enable_x64 else jax.random.randint(ks[2], (T, B, S), 0, CODES, dtype=jnp.int32)
    bus_outputs = jax.random.normal(ks[3], (T, B, S, LATENT), dtype=jnp.float32)
    bus_mask = jnp.zeros((T,), dtype=bool)
    Wq = jax.random.normal(ks[4], (1, SYM), dtype=jnp.float32) * 0.1
    bq = jnp.zeros((1,), dtype=jnp.float32)
    Wr = jax.random.normal(ks[5], (LATENT, 2 * LATENT), dtype=jnp.float32) * 0.02
    br = jnp.zeros((LATENT,), dtype=jnp.float32)
    Ws = jax.random.normal(ks[6], (SYM, LATENT), dtype=jnp.float32) * 0.02
    bs = jnp.zeros((SYM,), dtype=jnp.float32)
    Wc1 = jax.random.normal(ks[7], (LATENT, LATENT + SYM), dtype=jnp.float32) * 0.02
    bc1 = jnp.zeros((LATENT,), dtype=jnp.float32)
    Wc2 = jax.random.normal(ks[8], (LATENT, LATENT), dtype=jnp.float32) * 0.02
    bc2 = jnp.zeros((LATENT,), dtype=jnp.float32)
    codebook = jax.random.normal(ks[9], (CODES, SYM), dtype=jnp.float32)
    return {"token_state": token_state, "bus_symbols": bus_symbols, "bus_indices": bus_indices,
            "bus_outputs": bus_outputs, "bus_mask": bus_mask,
            "Wq": Wq, "bq": bq, "Wr": Wr, "br": br, "Ws": Ws, "bs": bs,
            "Wc1": Wc1, "bc1": bc1, "Wc2": Wc2, "bc2": bc2, "codebook": codebook}

def reference(token_state, bus_symbols, bus_indices, bus_outputs, bus_mask,
              Wq, bq, Wr, br, Ws, bs, Wc1, bc1, Wc2, bc2, codebook):
    Tt, Bb, Ss, D = bus_symbols.shape
    N = Bb * Ss
    bus_syms_flat = bus_symbols.reshape(Tt, N, D)
    bus_outs_flat = bus_outputs.reshape(Tt, N, -1)
    # query_proj -> relevance [T, N]
    relevance = (bus_syms_flat @ Wq.T + bq).squeeze(-1)
    top_msg_idx = jnp.argmax(relevance, axis=0)
    # gather chosen outputs per token
    chosen_outs = bus_outs_flat[top_msg_idx, jnp.arange(N)]
    bus_context = chosen_outs.reshape(Bb, Ss, -1)
    z = jnp.concatenate([token_state, bus_context], axis=-1)
    z_read = z @ Wr.T + br
    raw_symbol = z_read @ Ws.T + bs
    # EMAQuantizer forward (eval mode: no EMA buffer updates)
    flat_x = raw_symbol.reshape(-1, D)
    d2 = (jnp.sum(flat_x ** 2, axis=1, keepdims=True)
          + jnp.sum(codebook ** 2, axis=1)[None, :]
          - 2.0 * flat_x @ codebook.T)
    distances = jnp.sqrt(jnp.maximum(d2, 0.0))
    indices = jnp.argmin(distances, axis=-1)
    quantized = codebook[indices].reshape(Bb, Ss, D)
    h = jnp.concatenate([z_read, quantized], axis=-1) @ Wc1.T + bc1
    h = jax.nn.relu(h)
    node_output = h @ Wc2.T + bc2 + token_state
    used_counts = jnp.bincount(top_msg_idx, minlength=Tt, length=Tt)
    keep_mask = used_counts == 0
    return (node_output, quantized, indices.reshape(Bb, Ss), keep_mask)

if __name__ == "__main__":
    import jax
    _d = setup_inputs()
    print(jax.jit(kernel)(*tuple(_d.values())))

</pallas_src>

<mosaic_0001>
#map = affine_map<(d0, d1) -> (0, 0)>
#map1 = affine_map<(d0, d1) -> (0)>
module attributes {stable_mosaic.version = 14 : i64} {
  func.func @gk(%arg0: i32, %arg1: i32, %arg2: memref<8192x64xf32, #tpu.memory_space<hbm>>, %arg3: memref<4096xi32, #tpu.memory_space<hbm>>, %arg4: memref<4096x64xf32, #tpu.memory_space<hbm>>, %arg5: memref<128xi32, #tpu.memory_space<vmem>>, %arg6: memref<128x64xf32, #tpu.memory_space<vmem>>, %arg7: memref<128x64xf32, #tpu.memory_space<vmem>>, %arg8: memref<!tpu.dma_semaphore, #tpu.memory_space<semaphore_mem>>, %arg9: memref<!tpu.dma_semaphore, #tpu.memory_space<semaphore_mem>>, %arg10: memref<!tpu.dma_semaphore, #tpu.memory_space<semaphore_mem>>, %arg11: memref<!tpu.dma_semaphore, #tpu.memory_space<semaphore_mem>>) attributes {dimension_semantics = [#tpu.dimension_semantics<core_parallel>, #tpu.dimension_semantics<subcore_parallel>], iteration_bounds = array<i64: 2, 16>, scalar_prefetch = 0 : i64, scratch_operands = 7 : i64, tpu.core_type = #tpu.core_type<sc_vector_subcore>, window_params = [{transform_indices = #map}, {transform_indices = #map1}, {transform_indices = #map}]} {
    %mul3A = arith.constant 2 : i32
    %mul3A_0 = arith.muli %arg1, %mul3A : i32
    %add3A = arith.addi %mul3A_0, %arg0 : i32
    %mul3A_1 = arith.constant 128 : i32
    %mul3A_2 = arith.muli %add3A, %mul3A_1 : i32
    "tpu.region"() ({
      %run_scoped3A = tpu.sem_alloc : memref<!tpu.dma_semaphore, #tpu.memory_space<semaphore_mem>>
      %dma_start3A_21 = tpu.memref_slice %arg3[%mul3A_2] : memref<4096xi32, #tpu.memory_space<hbm>> -> memref<128xi32, #tpu.memory_space<hbm>>
      %dma_start3A_22 = tpu.memref_slice %arg3[%mul3A_2] : memref<4096xi32, #tpu.memory_space<hbm>> -> memref<128xi32, #tpu.memory_space<hbm>>
      tpu.enqueue_dma source(%dma_start3A_22 : memref<128xi32, #tpu.memory_space<hbm>>) target(%arg5 : memref<128xi32, #tpu.memory_space<vmem>>) target_semaphore(%run_scoped3A : memref<!tpu.dma_semaphore, #tpu.memory_space<semaphore_mem>>)
      %dma_wait3A_23 = tpu.memref_slice %arg3[%mul3A_2] : memref<4096xi32, #tpu.memory_space<hbm>> -> memref<128xi32, #tpu.memory_space<hbm>>
      %dma_wait3A_24 = tpu.memref_slice %arg3[%mul3A_2] : memref<4096xi32, #tpu.memory_space<hbm>> -> memref<128xi32, #tpu.memory_space<hbm>>
      tpu.wait_dma2 semaphore(%run_scoped3A : memref<!tpu.dma_semaphore, #tpu.memory_space<semaphore_mem>>) src(%dma_wait3A_24 : memref<128xi32, #tpu.memory_space<hbm>>) dst(%arg5 : memref<128xi32, #tpu.memory_space<vmem>>)
      tpu.yield
    }) : () -> ()
    %dma_start3A = arith.constant 0 : i32
    %dma_start3A_3 = tpu.memref_slice %arg5[%dma_start3A] : memref<128xi32, #tpu.memory_space<vmem>> -> memref<128xi32, #tpu.memory_space<vmem>>
    %dma_start3A_4 = arith.constant 0 : i32
    %dma_start3A_5 = arith.constant 0 : i32
    %dma_start3A_6 = tpu.memref_slice %arg2[%dma_start3A_4, %dma_start3A_5] : memref<8192x64xf32, #tpu.memory_space<hbm>> -> memref<8192x64xf32, #tpu.memory_space<hbm>>
    tpu.enqueue_indirect_dma source(%dma_start3A_6 : memref<8192x64xf32, #tpu.memory_space<hbm>>) target(%arg6 : memref<128x64xf32, #tpu.memory_space<vmem>>) offsets(%dma_start3A_3 : memref<128xi32, #tpu.memory_space<vmem>>) semaphore(%arg8 : memref<!tpu.dma_semaphore, #tpu.memory_space<semaphore_mem>>)
    %dma_wait3A = arith.constant 0 : i32
    %dma_wait3A_7 = tpu.memref_slice %arg5[%dma_wait3A] : memref<128xi32, #tpu.memory_space<vmem>> -> memref<128xi32, #tpu.memory_space<vmem>>
    %dma_wait3A_8 = arith.constant 0 : i32
    %dma_wait3A_9 = arith.constant 0 : i32
    %dma_wait3A_10 = tpu.memref_slice %arg2[%dma_wait3A_8, %dma_wait3A_9] : memref<8192x64xf32, #tpu.memory_space<hbm>> -> memref<8192x64xf32, #tpu.memory_space<hbm>>
    tpu.wait_indirect_dma semaphore(%arg8 : memref<!tpu.dma_semaphore, #tpu.memory_space<semaphore_mem>>) src(%dma_wait3A_10 : memref<8192x64xf32, #tpu.memory_space<hbm>>) dst(%arg6 : memref<128x64xf32, #tpu.memory_space<vmem>>)
    %add3A_11 = arith.constant 0 : i32
    %add3A_12 = arith.addi %mul3A_2, %add3A_11 : i32
    %dma_start3A_13 = arith.constant 0 : i32
    %dma_start3A_14 = tpu.memref_slice %arg4[%add3A_12, %dma_start3A_13] : memref<4096x64xf32, #tpu.memory_space<hbm>> -> memref<128x64xf32, #tpu.memory_space<hbm>>
    %dma_start3A_15 = arith.constant 0 : i32
    %dma_start3A_16 = tpu.memref_slice %arg4[%add3A_12, %dma_start3A_15] : memref<4096x64xf32, #tpu.memory_space<hbm>> -> memref<128x64xf32, #tpu.memory_space<hbm>>
    tpu.enqueue_dma source(%arg6 : memref<128x64xf32, #tpu.memory_space<vmem>>) target(%dma_start3A_16 : memref<128x64xf32, #tpu.memory_space<hbm>>) target_semaphore(%arg10 : memref<!tpu.dma_semaphore, #tpu.memory_space<semaphore_mem>>)
    %dma_wait3A_17 = arith.constant 0 : i32
    %dma_wait3A_18 = tpu.memref_slice %arg4[%add3A_12, %dma_wait3A_17] : memref<4096x64xf32, #tpu.memory_space<hbm>> -> memref<128x64xf32, #tpu.memory_space<hbm>>
    %dma_wait3A_19 = arith.constant 0 : i32
    %dma_wait3A_20 = tpu.memref_slice %arg4[%add3A_12, %dma_wait3A_19] : memref<4096x64xf32, #tpu.memory_space<hbm>> -> memref<128x64xf32, #tpu.memory_space<hbm>>
    tpu.wait_dma2 semaphore(%arg10 : memref<!tpu.dma_semaphore, #tpu.memory_space<semaphore_mem>>) src(%arg6 : memref<128x64xf32, #tpu.memory_space<vmem>>) dst(%dma_wait3A_20 : memref<128x64xf32, #tpu.memory_space<hbm>>)
    return
  }
}

#map = affine_map<(d0, d1) -> (0, 0)>
#map1 = affine_map<(d0, d1) -> (0)>
module attributes {stable_mosaic.version = 14 : i64} {
  func.func @gk(%arg0: i32, %arg1: i32, %arg2: memref<32768x1024xf32, #tpu.memory_space<hbm>>, %arg3: memref<4096xi32, #tpu.memory_space<hbm>>, %arg4: memref<4096x1024xf32, #tpu.memory_space<hbm>>, %arg5: memref<128xi32, #tpu.memory_space<vmem>>, %arg6: memref<32x1024xf32, #tpu.memory_space<vmem>>, %arg7: memref<32x1024xf32, #tpu.memory_space<vmem>>, %arg8: memref<!tpu.dma_semaphore, #tpu.memory_space<semaphore_mem>>, %arg9: memref<!tpu.dma_semaphore, #tpu.memory_space<semaphore_mem>>, %arg10: memref<!tpu.dma_semaphore, #tpu.memory_space<semaphore_mem>>, %arg11: memref<!tpu.dma_semaphore, #tpu.memory_space<semaphore_mem>>) attributes {dimension_semantics = [#tpu.dimension_semantics<core_parallel>, #tpu.dimension_semantics<subcore_parallel>], iteration_bounds = array<i64: 2, 16>, scalar_prefetch = 0 : i64, scratch_operands = 7 : i64, tpu.core_type = #tpu.core_type<sc_vector_subcore>, window_params = [{transform_indices = #map}, {transform_indices = #map1}, {transform_indices = #map}]} {
    %mul3A = arith.constant 2 : i32
    %mul3A_0 = arith.muli %arg1, %mul3A : i32
    %add3A = arith.addi %mul3A_0, %arg0 : i32
    %mul3A_1 = arith.constant 128 : i32
    %mul3A_2 = arith.muli %add3A, %mul3A_1 : i32
    "tpu.region"() ({
      %run_scoped3A = tpu.sem_alloc : memref<!tpu.dma_semaphore, #tpu.memory_space<semaphore_mem>>
      %dma_start3A_81 = tpu.memref_slice %arg3[%mul3A_2] : memref<4096xi32, #tpu.memory_space<hbm>> -> memref<128xi32, #tpu.memory_space<hbm>>
      %dma_start3A_82 = tpu.memref_slice %arg3[%mul3A_2] : memref<4096xi32, #tpu.memory_space<hbm>> -> memref<128xi32, #tpu.memory_space<hbm>>
      tpu.enqueue_dma source(%dma_start3A_82 : memref<128xi32, #tpu.memory_space<hbm>>) target(%arg5 : memref<128xi32, #tpu.memory_space<vmem>>) target_semaphore(%run_scoped3A : memref<!tpu.dma_semaphore, #tpu.memory_space<semaphore_mem>>)
      %dma_wait3A_83 = tpu.memref_slice %arg3[%mul3A_2] : memref<4096xi32, #tpu.memory_space<hbm>> -> memref<128xi32, #tpu.memory_space<hbm>>
      %dma_wait3A_84 = tpu.memref_slice %arg3[%mul3A_2] : memref<4096xi32, #tpu.memory_space<hbm>> -> memref<128xi32, #tpu.memory_space<hbm>>
      tpu.wait_dma2 semaphore(%run_scoped3A : memref<!tpu.dma_semaphore, #tpu.memory_space<semaphore_mem>>) src(%dma_wait3A_84 : memref<128xi32, #tpu.memory_space<hbm>>) dst(%arg5 : memref<128xi32, #tpu.memory_space<vmem>>)
      tpu.yield
    }) : () -> ()
    %dma_start3A = arith.constant 0 : i32
    %dma_start3A_3 = tpu.memref_slice %arg5[%dma_start3A] : memref<128xi32, #tpu.memory_space<vmem>> -> memref<32xi32, #tpu.memory_space<vmem>>
    %dma_start3A_4 = arith.constant 0 : i32
    %dma_start3A_5 = arith.constant 0 : i32
    %dma_start3A_6 = tpu.memref_slice %arg2[%dma_start3A_4, %dma_start3A_5] : memref<32768x1024xf32, #tpu.memory_space<hbm>> -> memref<32768x1024xf32, #tpu.memory_space<hbm>>
    tpu.enqueue_indirect_dma source(%dma_start3A_6 : memref<32768x1024xf32, #tpu.memory_space<hbm>>) target(%arg6 : memref<32x1024xf32, #tpu.memory_space<vmem>>) offsets(%dma_start3A_3 : memref<32xi32, #tpu.memory_space<vmem>>) semaphore(%arg8 : memref<!tpu.dma_semaphore, #tpu.memory_space<semaphore_mem>>)
    %dma_start3A_7 = arith.constant 32 : i32
    %dma_start3A_8 = tpu.memref_slice %arg5[%dma_start3A_7] : memref<128xi32, #tpu.memory_space<vmem>> -> memref<32xi32, #tpu.memory_space<vmem>>
    %dma_start3A_9 = arith.constant 0 : i32
    %dma_start3A_10 = arith.constant 0 : i32
    %dma_start3A_11 = tpu.memref_slice %arg2[%dma_start3A_9, %dma_start3A_10] : memref<32768x1024xf32, #tpu.memory_space<hbm>> -> memref<32768x1024xf32, #tpu.memory_space<hbm>>
    tpu.enqueue_indirect_dma source(%dma_start3A_11 : memref<32768x1024xf32, #tpu.memory_space<hbm>>) target(%arg7 : memref<32x1024xf32, #tpu.memory_space<vmem>>) offsets(%dma_start3A_8 : memref<32xi32, #tpu.memory_space<vmem>>) semaphore(%arg9 : memref<!tpu.dma_semaphore, #tpu.memory_space<semaphore_mem>>)
    %dma_wait3A = arith.constant 0 : i32
    %dma_wait3A_12 = tpu.memref_slice %arg5[%dma_wait3A] : memref<128xi32, #tpu.memory_space<vmem>> -> memref<32xi32, #tpu.memory_space<vmem>>
    %dma_wait3A_13 = arith.constant 0 : i32
    %dma_wait3A_14 = arith.constant 0 : i32
    %dma_wait3A_15 = tpu.memref_slice %arg2[%dma_wait3A_13, %dma_wait3A_14] : memref<32768x1024xf32, #tpu.memory_space<hbm>> -> memref<32768x1024xf32, #tpu.memory_space<hbm>>
    tpu.wait_indirect_dma semaphore(%arg8 : memref<!tpu.dma_semaphore, #tpu.memory_space<semaphore_mem>>) src(%dma_wait3A_15 : memref<32768x1024xf32, #tpu.memory_space<hbm>>) dst(%arg6 : memref<32x1024xf32, #tpu.memory_space<vmem>>)
    %add3A_16 = arith.constant 0 : i32
    %add3A_17 = arith.addi %mul3A_2, %add3A_16 : i32
    %dma_start3A_18 = arith.constant 0 : i32
    %dma_start3A_19 = tpu.memref_slice %arg4[%add3A_17, %dma_start3A_18] : memref<4096x1024xf32, #tpu.memory_space<hbm>> -> memref<32x1024xf32, #tpu.memory_space<hbm>>
    %dma_start3A_20 = arith.constant 0 : i32
    %dma_start3A_21 = tpu.memref_slice %arg4[%add3A_17, %dma_start3A_20] : memref<4096x1024xf32, #tpu.memory_space<hbm>> -> memref<32x1024xf32, #tpu.memory_space<hbm>>
    tpu.enqueue_dma source(%arg6 : memref<32x1024xf32, #tpu.memory_space<vmem>>) target(%dma_start3A_21 : memref<32x1024xf32, #tpu.memory_space<hbm>>) target_semaphore(%arg10 : memref<!tpu.dma_semaphore, #tpu.memory_space<semaphore_mem>>)
    %dma_wait3A_22 = arith.constant 0 : i32
    %dma_wait3A_23 = tpu.memref_slice %arg4[%add3A_17, %dma_wait3A_22] : memref<4096x1024xf32, #tpu.memory_space<hbm>> -> memref<32x1024xf32, #tpu.memory_space<hbm>>
    %dma_wait3A_24 = arith.constant 0 : i32
    %dma_wait3A_25 = tpu.memref_slice %arg4[%add3A_17, %dma_wait3A_24] : memref<4096x1024xf32, #tpu.memory_space<hbm>> -> memref<32x1024xf32, #tpu.memory_space<hbm>>
    tpu.wait_dma2 semaphore(%arg10 : memref<!tpu.dma_semaphore, #tpu.memory_space<semaphore_mem>>) src(%arg6 : memref<32x1024xf32, #tpu.memory_space<vmem>>) dst(%dma_wait3A_25 : memref<32x1024xf32, #tpu.memory_space<hbm>>)
    %dma_start3A_26 = arith.constant 64 : i32
    %dma_start3A_27 = tpu.memref_slice %arg5[%dma_start3A_26] : memref<128xi32, #tpu.memory_space<vmem>> -> memref<32xi32, #tpu.memory_space<vmem>>
    %dma_start3A_28 = arith.constant 0 : i32
    %dma_start3A_29 = arith.constant 0 : i32
    %dma_start3A_30 = tpu.memref_slice %arg2[%dma_start3A_28, %dma_start3A_29] : memref<32768x1024xf32, #tpu.memory_space<hbm>> -> memref<32768x1024xf32, #tpu.memory_space<hbm>>
    tpu.enqueue_indirect_dma source(%dma_start3A_30 : memref<32768x1024xf32, #tpu.memory_space<hbm>>) target(%arg6 : memref<32x1024xf32, #tpu.memory_space<vmem>>) offsets(%dma_start3A_27 : memref<32xi32, #tpu.memory_space<vmem>>) semaphore(%arg8 : memref<!tpu.dma_semaphore, #tpu.memory_space<semaphore_mem>>)
    %dma_wait3A_31 = arith.constant 32 : i32
    %dma_wait3A_32 = tpu.memref_slice %arg5[%dma_wait3A_31] : memref<128xi32, #tpu.memory_space<vmem>> -> memref<32xi32, #tpu.memory_space<vmem>>
    %dma_wait3A_33 = arith.constant 0 : i32
    %dma_wait3A_34 = arith.constant 0 : i32
    %dma_wait3A_35 = tpu.memref_slice %arg2[%dma_wait3A_33, %dma_wait3A_34] : memref<32768x1024xf32, #tpu.memory_space<hbm>> -> memref<32768x1024xf32, #tpu.memory_space<hbm>>
    tpu.wait_indirect_dma semaphore(%arg9 : memref<!tpu.dma_semaphore, #tpu.memory_space<semaphore_mem>>) src(%dma_wait3A_35 : memref<32768x1024xf32, #tpu.memory_space<hbm>>) dst(%arg7 : memref<32x1024xf32, #tpu.memory_space<vmem>>)
    %add3A_36 = arith.constant 32 : i32
    %add3A_37 = arith.addi %mul3A_2, %add3A_36 : i32
    %dma_start3A_38 = arith.constant 0 : i32
    %dma_start3A_39 = tpu.memref_slice %arg4[%add3A_37, %dma_start3A_38] : memref<4096x1024xf32, #tpu.memory_space<hbm>> -> memref<32x1024xf32, #tpu.memory_space<hbm>>
    %dma_start3A_40 = arith.constant 0 : i32
    %dma_start3A_41 = tpu.memref_slice %arg4[%add3A_37, %dma_start3A_40] : memref<4096x1024xf32, #tpu.memory_space<hbm>> -> memref<32x1024xf32, #tpu.memory_space<hbm>>
    tpu.enqueue_dma source(%arg7 : memref<32x1024xf32, #tpu.memory_space<vmem>>) target(%dma_start3A_41 : memref<32x1024xf32, #tpu.memory_space<hbm>>) target_semaphore(%arg11 : memref<!tpu.dma_semaphore, #tpu.memory_space<semaphore_mem>>)
    %dma_wait3A_42 = arith.constant 0 : i32
    %dma_wait3A_43 = tpu.memref_slice %arg4[%add3A_37, %dma_wait3A_42] : memref<4096x1024xf32, #tpu.memory_space<hbm>> -> memref<32x1024xf32, #tpu.memory_space<hbm>>
    %dma_wait3A_44 = arith.constant 0 : i32
    %dma_wait3A_45 = tpu.memref_slice %arg4[%add3A_37, %dma_wait3A_44] : memref<4096x1024xf32, #tpu.memory_space<hbm>> -> memref<32x1024xf32, #tpu.memory_space<hbm>>
    tpu.wait_dma2 semaphore(%arg11 : memref<!tpu.dma_semaphore, #tpu.memory_space<semaphore_mem>>) src(%arg7 : memref<32x1024xf32, #tpu.memory_space<vmem>>) dst(%dma_wait3A_45 : memref<32x1024xf32, #tpu.memory_space<hbm>>)
    %dma_start3A_46 = arith.constant 96 : i32
    %dma_start3A_47 = tpu.memref_slice %arg5[%dma_start3A_46] : memref<128xi32, #tpu.memory_space<vmem>> -> memref<32xi32, #tpu.memory_space<vmem>>
    %dma_start3A_48 = arith.constant 0 : i32
    %dma_start3A_49 = arith.constant 0 : i32
    %dma_start3A_50 = tpu.memref_slice %arg2[%dma_start3A_48, %dma_start3A_49] : memref<32768x1024xf32, #tpu.memory_space<hbm>> -> memref<32768x1024xf32, #tpu.memory_space<hbm>>
    tpu.enqueue_indirect_dma source(%dma_start3A_50 : memref<32768x1024xf32, #tpu.memory_space<hbm>>) target(%arg7 : memref<32x1024xf32, #tpu.memory_space<vmem>>) offsets(%dma_start3A_47 : memref<32xi32, #tpu.memory_space<vmem>>) semaphore(%arg9 : memref<!tpu.dma_semaphore, #tpu.memory_space<semaphore_mem>>)
    %dma_wait3A_51 = arith.constant 64 : i32
    %dma_wait3A_52 = tpu.memref_slice %arg5[%dma_wait3A_51] : memref<128xi32, #tpu.memory_space<vmem>> -> memref<32xi32, #tpu.memory_space<vmem>>
    %dma_wait3A_53 = arith.constant 0 : i32
    %dma_wait3A_54 = arith.constant 0 : i32
    %dma_wait3A_55 = tpu.memref_slice %arg2[%dma_wait3A_53, %dma_wait3A_54] : memref<32768x1024xf32, #tpu.memory_space<hbm>> -> memref<32768x1024xf32, #tpu.memory_space<hbm>>
    tpu.wait_indirect_dma semaphore(%arg8 : memref<!tpu.dma_semaphore, #tpu.memory_space<semaphore_mem>>) src(%dma_wait3A_55 : memref<32768x1024xf32, #tpu.memory_space<hbm>>) dst(%arg6 : memref<32x1024xf32, #tpu.memory_space<vmem>>)
    %add3A_56 = arith.constant 64 : i32
    %add3A_57 = arith.addi %mul3A_2, %add3A_56 : i32
    %dma_start3A_58 = arith.constant 0 : i32
    %dma_start3A_59 = tpu.memref_slice %arg4[%add3A_57, %dma_start3A_58] : memref<4096x1024xf32, #tpu.memory_space<hbm>> -> memref<32x1024xf32, #tpu.memory_space<hbm>>
    %dma_start3A_60 = arith.constant 0 : i32
    %dma_start3A_61 = tpu.memref_slice %arg4[%add3A_57, %dma_start3A_60] : memref<4096x1024xf32, #tpu.memory_space<hbm>> -> memref<32x1024xf32, #tpu.memory_space<hbm>>
    tpu.enqueue_dma source(%arg6 : memref<32x1024xf32, #tpu.memory_space<vmem>>) target(%dma_start3A_61 : memref<32x1024xf32, #tpu.memory_space<hbm>>) target_semaphore(%arg10 : memref<!tpu.dma_semaphore, #tpu.memory_space<semaphore_mem>>)
    %dma_wait3A_62 = arith.constant 96 : i32
    %dma_wait3A_63 = tpu.memref_slice %arg5[%dma_wait3A_62] : memref<128xi32, #tpu.memory_space<vmem>> -> memref<32xi32, #tpu.memory_space<vmem>>
    %dma_wait3A_64 = arith.constant 0 : i32
    %dma_wait3A_65 = arith.constant 0 : i32
    %dma_wait3A_66 = tpu.memref_slice %arg2[%dma_wait3A_64, %dma_wait3A_65] : memref<32768x1024xf32, #tpu.memory_space<hbm>> -> memref<32768x1024xf32, #tpu.memory_space<hbm>>
    tpu.wait_indirect_dma semaphore(%arg9 : memref<!tpu.dma_semaphore, #tpu.memory_space<semaphore_mem>>) src(%dma_wait3A_66 : memref<32768x1024xf32, #tpu.memory_space<hbm>>) dst(%arg7 : memref<32x1024xf32, #tpu.memory_space<vmem>>)
    %add3A_67 = arith.constant 96 : i32
    %add3A_68 = arith.addi %mul3A_2, %add3A_67 : i32
    %dma_start3A_69 = arith.constant 0 : i32
    %dma_start3A_70 = tpu.memref_slice %arg4[%add3A_68, %dma_start3A_69] : memref<4096x1024xf32, #tpu.memory_space<hbm>> -> memref<32x1024xf32, #tpu.memory_space<hbm>>
    %dma_start3A_71 = arith.constant 0 : i32
    %dma_start3A_72 = tpu.memref_slice %arg4[%add3A_68, %dma_start3A_71] : memref<4096x1024xf32, #tpu.memory_space<hbm>> -> memref<32x1024xf32, #tpu.memory_space<hbm>>
    tpu.enqueue_dma source(%arg7 : memref<32x1024xf32, #tpu.memory_space<vmem>>) target(%dma_start3A_72 : memref<32x1024xf32, #tpu.memory_space<hbm>>) target_semaphore(%arg11 : memref<!tpu.dma_semaphore, #tpu.memory_space<semaphore_mem>>)
    %dma_wait3A_73 = arith.constant 0 : i32
    %dma_wait3A_74 = tpu.memref_slice %arg4[%add3A_57, %dma_wait3A_73] : memref<4096x1024xf32, #tpu.memory_space<hbm>> -> memref<32x1024xf32, #tpu.memory_space<hbm>>
    %dma_wait3A_75 = arith.constant 0 : i32
    %dma_wait3A_76 = tpu.memref_slice %arg4[%add3A_57, %dma_wait3A_75] : memref<4096x1024xf32, #tpu.memory_space<hbm>> -> memref<32x1024xf32, #tpu.memory_space<hbm>>
    tpu.wait_dma2 semaphore(%arg10 : memref<!tpu.dma_semaphore, #tpu.memory_space<semaphore_mem>>) src(%arg6 : memref<32x1024xf32, #tpu.memory_space<vmem>>) dst(%dma_wait3A_76 : memref<32x1024xf32, #tpu.memory_space<hbm>>)
    %dma_wait3A_77 = arith.constant 0 : i32
    %dma_wait3A_78 = tpu.memref_slice %arg4[%add3A_68, %dma_wait3A_77] : memref<4096x1024xf32, #tpu.memory_space<hbm>> -> memref<32x1024xf32, #tpu.memory_space<hbm>>
    %dma_wait3A_79 = arith.constant 0 : i32
    %dma_wait3A_80 = tpu.memref_slice %arg4[%add3A_68, %dma_wait3A_79] : memref<4096x1024xf32, #tpu.memory_space<hbm>> -> memref<32x1024xf32, #tpu.memory_space<hbm>>
    tpu.wait_dma2 semaphore(%arg11 : memref<!tpu.dma_semaphore, #tpu.memory_space<semaphore_mem>>) src(%arg7 : memref<32x1024xf32, #tpu.memory_space<vmem>>) dst(%dma_wait3A_80 : memref<32x1024xf32, #tpu.memory_space<hbm>>)
    return
  }
}

module attributes {stable_mosaic.version = 14 : i64} {
  func.func @_route_body(%arg0: memref<8x4096x64xbf16, #tpu.memory_space<vmem>>, %arg1: memref<1x64xbf16, #tpu.memory_space<vmem>>, %arg2: memref<1x4096xi32, #tpu.memory_space<vmem>>, %arg3: memref<8x1xi32, #tpu.memory_space<vmem>>) attributes {dimension_semantics = [], scalar_prefetch = 0 : i64, scratch_operands = 0 : i64, tpu.core_type = #tpu.core_type<tc>} {
    %get3A = arith.constant 0 : index
    %get3A_0 = arith.constant 0 : index
    %get3A_1 = vector.load %arg1[%get3A, %get3A_0] : memref<1x64xbf16, #tpu.memory_space<vmem>>, vector<1x64xbf16>
    %get3A_2 = arith.constant 0 : index
    %get3A_3 = arith.constant 0 : index
    %get3A_4 = arith.constant 0 : index
    %get3A_5 = vector.load %arg0[%get3A_2, %get3A_3, %get3A_4] : memref<8x4096x64xbf16, #tpu.memory_space<vmem>>, vector<1x4096x64xbf16>
    %get3A_6 = vector.shape_cast %get3A_5 : vector<1x4096x64xbf16> to vector<4096x64xbf16>
    %dot_general3A = arith.constant dense<0.000000e+00> : vector<1x4096xf32>
    %dot_general3A_7 = tpu.matmul %get3A_1, %get3A_6, %dot_general3A {dimension_numbers = #tpu.dot_dimension_numbers<[1], [1], [0], [0], [0, 0, 1, 0], [], []>, transpose_lhs_hint = false} : vector<1x64xbf16>, vector<4096x64xbf16>, vector<1x4096xf32> -> vector<1x4096xf32>
    %broadcast_in_dim3A = arith.constant 0 : i32
    %broadcast_in_dim3A_8 = vector.broadcast %broadcast_in_dim3A : i32 to vector<1x4096xi32>
    %get3A_9 = arith.constant 1 : index
    %get3A_10 = arith.constant 0 : index
    %get3A_11 = arith.constant 0 : index
    %get3A_12 = vector.load %arg0[%get3A_9, %get3A_10, %get3A_11] : memref<8x4096x64xbf16, #tpu.memory_space<vmem>>, vector<1x4096x64xbf16>
    %get3A_13 = vector.shape_cast %get3A_12 : vector<1x4096x64xbf16> to vector<4096x64xbf16>
    %dot_general3A_14 = arith.constant dense<0.000000e+00> : vector<1x4096xf32>
    %dot_general3A_15 = tpu.matmul %get3A_1, %get3A_13, %dot_general3A_14 {dimension_numbers = #tpu.dot_dimension_numbers<[1], [1], [0], [0], [0, 0, 1, 0], [], []>, transpose_lhs_hint = false} : vector<1x64xbf16>, vector<4096x64xbf16>, vector<1x4096xf32> -> vector<1x4096xf32>
    %gt3A = arith.cmpf ogt, %dot_general3A_15, %dot_general3A_7 : vector<1x4096xf32>
    %select_n3A = arith.select %gt3A, %dot_general3A_15, %dot_general3A_7 : vector<1x4096xi1>, vector<1x4096xf32>
    %jit3A = arith.constant 1 : i32
    %broadcast_in_dim3A_16 = vector.broadcast %jit3A : i32 to vector<1x4096xi32>
    %select_n3A_17 = arith.select %gt3A, %broadcast_in_dim3A_16, %broadcast_in_dim3A_8 : vector<1x4096xi1>, vector<1x4096xi32>
    %get3A_18 = arith.constant 2 : index
    %get3A_19 = arith.constant 0 : index
    %get3A_20 = arith.constant 0 : index
    %get3A_21 = vector.load %arg0[%get3A_18, %get3A_19, %get3A_20] : memref<8x4096x64xbf16, #tpu.memory_space<vmem>>, vector<1x4096x64xbf16>
    %get3A_22 = vector.shape_cast %get3A_21 : vector<1x4096x64xbf16> to vector<4096x64xbf16>
    %dot_general3A_23 = arith.constant dense<0.000000e+00> : vector<1x4096xf32>
    %dot_general3A_24 = tpu.matmul %get3A_1, %get3A_22, %dot_general3A_23 {dimension_numbers = #tpu.dot_dimension_numbers<[1], [1], [0], [0], [0, 0, 1, 0], [], []>, transpose_lhs_hint = false} : vector<1x64xbf16>, vector<4096x64xbf16>, vector<1x4096xf32> -> vector<1x4096xf32>
    %gt3A_25 = arith.cmpf ogt, %dot_general3A_24, %select_n3A : vector<1x4096xf32>
    %select_n3A_26 = arith.select %gt3A_25, %dot_general3A_24, %select_n3A : vector<1x4096xi1>, vector<1x4096xf32>
    %jit3A_27 = arith.constant 2 : i32
    %broadcast_in_dim3A_28 = vector.broadcast %jit3A_27 : i32 to vector<1x4096xi32>
    %select_n3A_29 = arith.select %gt3A_25, %broadcast_in_dim3A_28, %select_n3A_17 : vector<1x4096xi1>, vector<1x4096xi32>
    %get3A_30 = arith.constant 3 : index
    %get3A_31 = arith.constant 0 : index
    %get3A_32 = arith.constant 0 : index
    %get3A_33 = vector.load %arg0[%get3A_30, %get3A_31, %get3A_32] : memref<8x4096x64xbf16, #tpu.memory_space<vmem>>, vector<1x4096x64xbf16>
    %get3A_34 = vector.shape_cast %get3A_33 : vector<1x4096x64xbf16> to vector<4096x64xbf16>
    %dot_general3A_35 = arith.constant dense<0.000000e+00> : vector<1x4096xf32>
    %dot_general3A_36 = tpu.matmul %get3A_1, %get3A_34, %dot_general3A_35 {dimension_numbers = #tpu.dot_dimension_numbers<[1], [1], [0], [0], [0, 0, 1, 0], [], []>, transpose_lhs_hint = false} : vector<1x64xbf16>, vector<4096x64xbf16>, vector<1x4096xf32> -> vector<1x4096xf32>
    %gt3A_37 = arith.cmpf ogt, %dot_general3A_36, %select_n3A_26 : vector<1x4096xf32>
    %select_n3A_38 = arith.select %gt3A_37, %dot_general3A_36, %select_n3A_26 : vector<1x4096xi1>, vector<1x4096xf32>
    %jit3A_39 = arith.constant 3 : i32
    %broadcast_in_dim3A_40 = vector.broadcast %jit3A_39 : i32 to vector<1x4096xi32>
    %select_n3A_41 = arith.select %gt3A_37, %broadcast_in_dim3A_40, %select_n3A_29 : vector<1x4096xi1>, vector<1x4096xi32>
    %get3A_42 = arith.constant 4 : index
    %get3A_43 = arith.constant 0 : index
    %get3A_44 = arith.constant 0 : index
    %get3A_45 = vector.load %arg0[%get3A_42, %get3A_43, %get3A_44] : memref<8x4096x64xbf16, #tpu.memory_space<vmem>>, vector<1x4096x64xbf16>
    %get3A_46 = vector.shape_cast %get3A_45 : vector<1x4096x64xbf16> to vector<4096x64xbf16>
    %dot_general3A_47 = arith.constant dense<0.000000e+00> : vector<1x4096xf32>
    %dot_general3A_48 = tpu.matmul %get3A_1, %get3A_46, %dot_general3A_47 {dimension_numbers = #tpu.dot_dimension_numbers<[1], [1], [0], [0], [0, 0, 1, 0], [], []>, transpose_lhs_hint = false} : vector<1x64xbf16>, vector<4096x64xbf16>, vector<1x4096xf32> -> vector<1x4096xf32>
    %gt3A_49 = arith.cmpf ogt, %dot_general3A_48, %select_n3A_38 : vector<1x4096xf32>
    %select_n3A_50 = arith.select %gt3A_49, %dot_general3A_48, %select_n3A_38 : vector<1x4096xi1>, vector<1x4096xf32>
    %jit3A_51 = arith.constant 4 : i32
    %broadcast_in_dim3A_52 = vector.broadcast %jit3A_51 : i32 to vector<1x4096xi32>
    %select_n3A_53 = arith.select %gt3A_49, %broadcast_in_dim3A_52, %select_n3A_41 : vector<1x4096xi1>, vector<1x4096xi32>
    %get3A_54 = arith.constant 5 : index
    %get3A_55 = arith.constant 0 : index
    %get3A_56 = arith.constant 0 : index
    %get3A_57 = vector.load %arg0[%get3A_54, %get3A_55, %get3A_56] : memref<8x4096x64xbf16, #tpu.memory_space<vmem>>, vector<1x4096x64xbf16>
    %get3A_58 = vector.shape_cast %get3A_57 : vector<1x4096x64xbf16> to vector<4096x64xbf16>
    %dot_general3A_59 = arith.constant dense<0.000000e+00> : vector<1x4096xf32>
    %dot_general3A_60 = tpu.matmul %get3A_1, %get3A_58, %dot_general3A_59 {dimension_numbers = #tpu.dot_dimension_numbers<[1], [1], [0], [0], [0, 0, 1, 0], [], []>, transpose_lhs_hint = false} : vector<1x64xbf16>, vector<4096x64xbf16>, vector<1x4096xf32> -> vector<1x4096xf32>
    %gt3A_61 = arith.cmpf ogt, %dot_general3A_60, %select_n3A_50 : vector<1x4096xf32>
    %select_n3A_62 = arith.select %gt3A_61, %dot_general3A_60, %select_n3A_50 : vector<1x4096xi1>, vector<1x4096xf32>
    %jit3A_63 = arith.constant 5 : i32
    %broadcast_in_dim3A_64 = vector.broadcast %jit3A_63 : i32 to vector<1x4096xi32>
    %select_n3A_65 = arith.select %gt3A_61, %broadcast_in_dim3A_64, %select_n3A_53 : vector<1x4096xi1>, vector<1x4096xi32>
    %get3A_66 = arith.constant 6 : index
    %get3A_67 = arith.constant 0 : index
    %get3A_68 = arith.constant 0 : index
    %get3A_69 = vector.load %arg0[%get3A_66, %get3A_67, %get3A_68] : memref<8x4096x64xbf16, #tpu.memory_space<vmem>>, vector<1x4096x64xbf16>
    %get3A_70 = vector.shape_cast %get3A_69 : vector<1x4096x64xbf16> to vector<4096x64xbf16>
    %dot_general3A_71 = arith.constant dense<0.000000e+00> : vector<1x4096xf32>
    %dot_general3A_72 = tpu.matmul %get3A_1, %get3A_70, %dot_general3A_71 {dimension_numbers = #tpu.dot_dimension_numbers<[1], [1], [0], [0], [0, 0, 1, 0], [], []>, transpose_lhs_hint = false} : vector<1x64xbf16>, vector<4096x64xbf16>, vector<1x4096xf32> -> vector<1x4096xf32>
    %gt3A_73 = arith.cmpf ogt, %dot_general3A_72, %select_n3A_62 : vector<1x4096xf32>
    %select_n3A_74 = arith.select %gt3A_73, %dot_general3A_72, %select_n3A_62 : vector<1x4096xi1>, vector<1x4096xf32>
    %jit3A_75 = arith.constant 6 : i32
    %broadcast_in_dim3A_76 = vector.broadcast %jit3A_75 : i32 to vector<1x4096xi32>
    %select_n3A_77 = arith.select %gt3A_73, %broadcast_in_dim3A_76, %select_n3A_65 : vector<1x4096xi1>, vector<1x4096xi32>
    %get3A_78 = arith.constant 7 : index
    %get3A_79 = arith.constant 0 : index
    %get3A_80 = arith.constant 0 : index
    %get3A_81 = vector.load %arg0[%get3A_78, %get3A_79, %get3A_80] : memref<8x4096x64xbf16, #tpu.memory_space<vmem>>, vector<1x4096x64xbf16>
    %get3A_82 = vector.shape_cast %get3A_81 : vector<1x4096x64xbf16> to vector<4096x64xbf16>
    %dot_general3A_83 = arith.constant dense<0.000000e+00> : vector<1x4096xf32>
    %dot_general3A_84 = tpu.matmul %get3A_1, %get3A_82, %dot_general3A_83 {dimension_numbers = #tpu.dot_dimension_numbers<[1], [1], [0], [0], [0, 0, 1, 0], [], []>, transpose_lhs_hint = false} : vector<1x64xbf16>, vector<4096x64xbf16>, vector<1x4096xf32> -> vector<1x4096xf32>
    %gt3A_85 = arith.cmpf ogt, %dot_general3A_84, %select_n3A_74 : vector<1x4096xf32>
    %jit3A_86 = arith.constant 7 : i32
    %broadcast_in_dim3A_87 = vector.broadcast %jit3A_86 : i32 to vector<1x4096xi32>
    %select_n3A_88 = arith.select %gt3A_85, %broadcast_in_dim3A_87, %select_n3A_77 : vector<1x4096xi1>, vector<1x4096xi32>
    %iota3A = tpu.iota {dimensions = array<i32: 1>} : vector<1x4096xi32>
    %mul3A = arith.constant 4096 : i32
    %mul3A_89 = vector.broadcast %mul3A : i32 to vector<1x4096xi32>
    %mul3A_90 = arith.muli %select_n3A_88, %mul3A_89 : vector<1x4096xi32>
    %add3A = arith.addi %mul3A_90, %iota3A : vector<1x4096xi32>
    %swap3A = arith.constant 0 : index
    %swap3A_91 = arith.constant 0 : index
    %swap3A_92 = vector.load %arg2[%swap3A, %swap3A_91] : memref<1x4096xi32, #tpu.memory_space<vmem>>, vector<1x4096xi32>
    tpu.vector_store %arg2[%swap3A, %swap3A_91], %add3A {strides = array<i32>} : memref<1x4096xi32, #tpu.memory_space<vmem>>, vector<1x4096xi32>,
    %iota3A_93 = tpu.iota {dimensions = array<i32: 0>} : vector<8x1xi32>
    %eq3A = vector.broadcast %select_n3A_88 : vector<1x4096xi32> to vector<8x4096xi32>
    %eq3A_94 = vector.broadcast %iota3A_93 : vector<8x1xi32> to vector<8x4096xi32>
    %eq3A_95 = arith.cmpi eq, %eq3A, %eq3A_94 : vector<8x4096xi32>
    %convert_element_type3A = arith.extui %eq3A_95 : vector<8x4096xi1> to vector<8x4096xi32>
    %reduce_sum3A = arith.constant dense<0> : vector<8xi32>
    %reduce_sum3A_96 = vector.multi_reduction <add>, %convert_element_type3A, %reduce_sum3A [1] : vector<8x4096xi32> to vector<8xi32>
    %broadcast_in_dim3A_97 = vector.shape_cast %reduce_sum3A_96 : vector<8xi32> to vector<8x1xi32>
    %swap3A_98 = arith.constant 0 : index
    %swap3A_99 = arith.constant 0 : index
    %swap3A_100 = vector.load %arg3[%swap3A_98, %swap3A_99] : memref<8x1xi32, #tpu.memory_space<vmem>>, vector<8x1xi32>
    tpu.vector_store %arg3[%swap3A_98, %swap3A_99], %broadcast_in_dim3A_97 {strides = array<i32>} : memref<8x1xi32, #tpu.memory_space<vmem>>, vector<8x1xi32>,
    return
  }
}

module attributes {stable_mosaic.version = 14 : i64} {
  func.func @_dense_body(%arg0: i32, %arg1: memref<512x1024xf32, #tpu.memory_space<vmem>>, %arg2: memref<512x1024xf32, #tpu.memory_space<vmem>>, %arg3: memref<1024x2048xbf16, #tpu.memory_space<vmem>>, %arg4: memref<1x1024xf32, #tpu.memory_space<vmem>>, %arg5: memref<64x1024xbf16, #tpu.memory_space<vmem>>, %arg6: memref<1x64xf32, #tpu.memory_space<vmem>>, %arg7: memref<1024x1024xbf16, #tpu.memory_space<vmem>>, %arg8: memref<1024x64xbf16, #tpu.memory_space<vmem>>, %arg9: memref<1x1024xf32, #tpu.memory_space<vmem>>, %arg10: memref<1024x1024xbf16, #tpu.memory_space<vmem>>, %arg11: memref<1x1024xf32, #tpu.memory_space<vmem>>, %arg12: memref<8192x64xbf16, #tpu.memory_space<vmem>>, %arg13: memref<1x8192xf32, #tpu.memory_space<vmem>>, %arg14: memref<512x1024xf32, #tpu.memory_space<vmem>>, %arg15: memref<512x1xi32, #tpu.memory_space<vmem>>) attributes {dimension_semantics = [#tpu.dimension_semantics<arbitrary>], iteration_bounds = array<i64: 8>, scalar_prefetch = 0 : i64, scratch_operands = 0 : i64, tpu.core_type = #tpu.core_type<tc>, window_params = [{transform_indices = @transform_0, window_bounds = array<i64: 512, 1024>}, {transform_indices = @transform_1, window_bounds = array<i64: 512, 1024>}, {pipeline_mode = #tpu.pipeline_mode<synchronous>, transform_indices = @transform_2, window_bounds = array<i64: 1024, 2048>}, {pipeline_mode = #tpu.pipeline_mode<synchronous>, transform_indices = @transform_3, window_bounds = array<i64: 1, 1024>}, {pipeline_mode = #tpu.pipeline_mode<synchronous>, transform_indices = @transform_4, window_bounds = array<i64: 64, 1024>}, {pipeline_mode = #tpu.pipeline_mode<synchronous>, transform_indices = @transform_5, window_bounds = array<i64: 1, 64>}, {pipeline_mode = #tpu.pipeline_mode<synchronous>, transform_indices = @transform_6, window_bounds = array<i64: 1024, 1024>}, {pipeline_mode = #tpu.pipeline_mode<synchronous>, transform_indices = @transform_7, window_bounds = array<i64: 1024, 64>}, {pipeline_mode = #tpu.pipeline_mode<synchronous>, transform_indices = @transform_8, window_bounds = array<i64: 1, 1024>}, {pipeline_mode = #tpu.pipeline_mode<synchronous>, transform_indices = @transform_9, window_bounds = array<i64: 1024, 1024>}, {pipeline_mode = #tpu.pipeline_mode<synchronous>, transform_indices = @transform_10, window_bounds = array<i64: 1, 1024>}, {pipeline_mode = #tpu.pipeline_mode<synchronous>, transform_indices = @transform_11, window_bounds = array<i64: 8192, 64>}, {pipeline_mode = #tpu.pipeline_mode<synchronous>, transform_indices = @transform_12, window_bounds = array<i64: 1, 8192>}, {transform_indices = @transform_13, window_bounds = array<i64: 512, 1024>}, {transform_indices = @transform_14, window_bounds = array<i64: 512, 1>}]} {
    %get3A = arith.constant 0 : index
    %get3A_0 = arith.constant 0 : index
    %get3A_1 = vector.load %arg1[%get3A, %get3A_0] : memref<512x1024xf32, #tpu.memory_space<vmem>>, vector<512x1024xf32>
    %get3A_2 = arith.constant 0 : index
    %get3A_3 = arith.constant 0 : index
    %get3A_4 = vector.load %arg2[%get3A_2, %get3A_3] : memref<512x1024xf32, #tpu.memory_space<vmem>>, vector<512x1024xf32>
    %concatenate3A = tpu.concatenate %get3A_1, %get3A_4 in 1 : vector<512x1024xf32>, vector<512x1024xf32> -> vector<512x2048xf32>
    %convert_element_type3A = arith.truncf %concatenate3A : vector<512x2048xf32> to vector<512x2048xbf16>
    %get3A_5 = arith.constant 0 : index
    %get3A_6 = arith.constant 0 : index
    %get3A_7 = vector.load %arg3[%get3A_5, %get3A_6] : memref<1024x2048xbf16, #tpu.memory_space<vmem>>, vector<1024x2048xbf16>
    %dot_general3A = arith.constant dense<0.000000e+00> : vector<512x1024xf32>
    %dot_general3A_8 = tpu.matmul %convert_element_type3A, %get3A_7, %dot_general3A {dimension_numbers = #tpu.dot_dimension_numbers<[1], [1], [0], [0], [0, 0, 1, 0], [], []>, transpose_lhs_hint = false} : vector<512x2048xbf16>, vector<1024x2048xbf16>, vector<512x1024xf32> -> vector<512x1024xf32>
    %get3A_9 = arith.constant 0 : index
    %get3A_10 = arith.constant 0 : index
    %get3A_11 = vector.load %arg4[%get3A_9, %get3A_10] : memref<1x1024xf32, #tpu.memory_space<vmem>>, vector<1x1024xf32>
    %add3A = vector.broadcast %get3A_11 : vector<1x1024xf32> to vector<512x1024xf32>
    %add3A_12 = arith.addf %dot_general3A_8, %add3A : vector<512x1024xf32>
    %convert_element_type3A_13 = arith.truncf %add3A_12 : vector<512x1024xf32> to vector<512x1024xbf16>
    %get3A_14 = arith.constant 0 : index
    %get3A_15 = arith.constant 0 : index
    %get3A_16 = vector.load %arg5[%get3A_14, %get3A_15] : memref<64x1024xbf16, #tpu.memory_space<vmem>>, vector<64x1024xbf16>
    %dot_general3A_17 = arith.constant dense<0.000000e+00> : vector<512x64xf32>
    %dot_general3A_18 = tpu.matmul %convert_element_type3A_13, %get3A_16, %dot_general3A_17 {dimension_numbers = #tpu.dot_dimension_numbers<[1], [1], [0], [0], [0, 0, 1, 0], [], []>, transpose_lhs_hint = false} : vector<512x1024xbf16>, vector<64x1024xbf16>, vector<512x64xf32> -> vector<512x64xf32>
    %get3A_19 = arith.constant 0 : index
    %get3A_20 = arith.constant 0 : index
    %get3A_21 = vector.load %arg6[%get3A_19, %get3A_20] : memref<1x64xf32, #tpu.memory_space<vmem>>, vector<1x64xf32>
    %add3A_22 = vector.broadcast %get3A_21 : vector<1x64xf32> to vector<512x64xf32>
    %add3A_23 = arith.addf %dot_general3A_18, %add3A_22 : vector<512x64xf32>
    %mul3A = arith.mulf %add3A_23, %add3A_23 : vector<512x64xf32>
    %reduce_sum3A = arith.constant dense<0.000000e+00> : vector<512xf32>
    %reduce_sum3A_24 = vector.multi_reduction <add>, %mul3A, %reduce_sum3A [1] : vector<512x64xf32> to vector<512xf32>
    %broadcast_in_dim3A = vector.shape_cast %reduce_sum3A_24 : vector<512xf32> to vector<512x1xf32>
    %convert_element_type3A_25 = arith.truncf %add3A_23 : vector<512x64xf32> to vector<512x64xbf16>
    %iota3A = tpu.iota {dimensions = array<i32: 1>} : vector<512x1024xi32>
    %broadcast_in_dim3A_26 = arith.constant 0x7F800000 : f32
    %broadcast_in_dim3A_27 = vector.broadcast %broadcast_in_dim3A_26 : f32 to vector<512x1xf32>
    %broadcast_in_dim3A_28 = arith.constant 0 : i32
    %broadcast_in_dim3A_29 = vector.broadcast %broadcast_in_dim3A_28 : i32 to vector<512x1xi32>
    %broadcast_in_dim3A_30 = arith.constant 0.000000e+00 : f32
    %broadcast_in_dim3A_31 = vector.broadcast %broadcast_in_dim3A_30 : f32 to vector<512x64xf32>
    %get3A_32 = arith.constant 0 : index
    %get3A_33 = arith.constant 0 : index
    %get3A_34 = vector.load %arg12[%get3A_32, %get3A_33] : memref<8192x64xbf16, #tpu.memory_space<vmem>>, vector<1024x64xbf16>
    %get3A_35 = arith.constant 0 : index
    %get3A_36 = arith.constant 0 : index
    %get3A_37 = vector.load %arg13[%get3A_35, %get3A_36] : memref<1x8192xf32, #tpu.memory_space<vmem>>, vector<1x1024xf32>
    %add3A_38 = vector.broadcast %broadcast_in_dim3A : vector<512x1xf32> to vector<512x1024xf32>
    %add3A_39 = vector.broadcast %get3A_37 : vector<1x1024xf32> to vector<512x1024xf32>
    %add3A_40 = arith.addf %add3A_38, %add3A_39 : vector<512x1024xf32>
    %dot_general3A_41 = arith.constant dense<0.000000e+00> : vector<512x1024xf32>
    %dot_general3A_42 = tpu.matmul %convert_element_type3A_25, %get3A_34, %dot_general3A_41 {dimension_numbers = #tpu.dot_dimension_numbers<[1], [1], [0], [0], [0, 0, 1, 0], [], []>, transpose_lhs_hint = false} : vector<512x64xbf16>, vector<1024x64xbf16>, vector<512x1024xf32> -> vector<512x1024xf32>
    %mul3A_43 = arith.constant 2.000000e+00 : f32
    %mul3A_44 = vector.broadcast %mul3A_43 : f32 to vector<512x1024xf32>
    %mul3A_45 = arith.mulf %mul3A_44, %dot_general3A_42 : vector<512x1024xf32>
    %sub3A = arith.subf %add3A_40, %mul3A_45 : vector<512x1024xf32>
    %reduce_min3A = arith.constant dense<0x7F800000> : vector<512xf32>
    %reduce_min3A_46 = vector.multi_reduction <minimumf>, %sub3A, %reduce_min3A [1] : vector<512x1024xf32> to vector<512xf32>
    %broadcast_in_dim3A_47 = vector.shape_cast %reduce_min3A_46 : vector<512xf32> to vector<512x1xf32>
    %le3A = vector.broadcast %broadcast_in_dim3A_47 : vector<512x1xf32> to vector<512x1024xf32>
    %le3A_48 = arith.cmpf ole, %sub3A, %le3A : vector<512x1024xf32>
    %jit3A = arith.constant 1024 : i32
    %broadcast_in_dim3A_49 = vector.broadcast %jit3A : i32 to vector<512x1024xi32>
    %select_n3A = arith.select %le3A_48, %iota3A, %broadcast_in_dim3A_49 : vector<512x1024xi1>, vector<512x1024xi32>
    %reduce_min3A_50 = arith.constant dense<2147483647> : vector<512xi32>
    %reduce_min3A_51 = vector.multi_reduction <minsi>, %select_n3A, %reduce_min3A_50 [1] : vector<512x1024xi32> to vector<512xi32>
    %broadcast_in_dim3A_52 = vector.shape_cast %reduce_min3A_51 : vector<512xi32> to vector<512x1xi32>
    %eq3A = vector.broadcast %broadcast_in_dim3A_52 : vector<512x1xi32> to vector<512x1024xi32>
    %eq3A_53 = arith.cmpi eq, %iota3A, %eq3A : vector<512x1024xi32>
    %convert_element_type3A_54 = arith.extui %eq3A_53 : vector<512x1024xi1> to vector<512x1024xi32>
    %convert_element_type3A_55 = arith.sitofp %convert_element_type3A_54 : vector<512x1024xi32> to vector<512x1024xf32>
    %convert_element_type3A_56 = arith.truncf %convert_element_type3A_55 : vector<512x1024xf32> to vector<512x1024xbf16>
    %dot_general3A_57 = arith.constant dense<0.000000e+00> : vector<512x64xf32>
    %dot_general3A_58 = tpu.matmul %convert_element_type3A_56, %get3A_34, %dot_general3A_57 {dimension_numbers = #tpu.dot_dimension_numbers<[1], [0], [0], [1], [0, 0, 1, 1], [], []>, transpose_lhs_hint = false} : vector<512x1024xbf16>, vector<1024x64xbf16>, vector<512x64xf32> -> vector<512x64xf32>
    %lt3A = arith.cmpf olt, %broadcast_in_dim3A_47, %broadcast_in_dim3A_27 : vector<512x1xf32>
    %select_n3A_59 = arith.select %lt3A, %broadcast_in_dim3A_47, %broadcast_in_dim3A_27 : vector<512x1xi1>, vector<512x1xf32>
    %add3A_60 = arith.constant 0 : i32
    %add3A_61 = vector.broadcast %add3A_60 : i32 to vector<512x1xi32>
    %add3A_62 = arith.addi %broadcast_in_dim3A_52, %add3A_61 : vector<512x1xi32>
    %select_n3A_63 = arith.select %lt3A, %add3A_62, %broadcast_in_dim3A_29 : vector<512x1xi1>, vector<512x1xi32>
    %broadcast_in_dim3A_64 = vector.shape_cast %lt3A : vector<512x1xi1> to vector<512x1xi1>
    %broadcast_in_dim3A_65 = vector.broadcast %broadcast_in_dim3A_64 : vector<512x1xi1> to vector<512x64xi1>
    %select_n3A_66 = arith.select %broadcast_in_dim3A_65, %dot_general3A_58, %broadcast_in_dim3A_31 : vector<512x64xi1>, vector<512x64xf32>
    %get3A_67 = arith.constant 1024 : index
    %get3A_68 = arith.constant 0 : index
    %get3A_69 = vector.load %arg12[%get3A_67, %get3A_68] : memref<8192x64xbf16, #tpu.memory_space<vmem>>, vector<1024x64xbf16>
    %get3A_70 = arith.constant 0 : index
    %get3A_71 = arith.constant 1024 : index
    %get3A_72 = vector.load %arg13[%get3A_70, %get3A_71] : memref<1x8192xf32, #tpu.memory_space<vmem>>, vector<1x1024xf32>
    %add3A_73 = vector.broadcast %broadcast_in_dim3A : vector<512x1xf32> to vector<512x1024xf32>
    %add3A_74 = vector.broadcast %get3A_72 : vector<1x1024xf32> to vector<512x1024xf32>
    %add3A_75 = arith.addf %add3A_73, %add3A_74 : vector<512x1024xf32>
    %dot_general3A_76 = arith.constant dense<0.000000e+00> : vector<512x1024xf32>
    %dot_general3A_77 = tpu.matmul %convert_element_type3A_25, %get3A_69, %dot_general3A_76 {dimension_numbers = #tpu.dot_dimension_numbers<[1], [1], [0], [0], [0, 0, 1, 0], [], []>, transpose_lhs_hint = false} : vector<512x64xbf16>, vector<1024x64xbf16>, vector<512x1024xf32> -> vector<512x1024xf32>
    %mul3A_78 = arith.constant 2.000000e+00 : f32
    %mul3A_79 = vector.broadcast %mul3A_78 : f32 to vector<512x1024xf32>
    %mul3A_80 = arith.mulf %mul3A_79, %dot_general3A_77 : vector<512x1024xf32>
    %sub3A_81 = arith.subf %add3A_75, %mul3A_80 : vector<512x1024xf32>
    %reduce_min3A_82 = arith.constant dense<0x7F800000> : vector<512xf32>
    %reduce_min3A_83 = vector.multi_reduction <minimumf>, %sub3A_81, %reduce_min3A_82 [1] : vector<512x1024xf32> to vector<512xf32>
    %broadcast_in_dim3A_84 = vector.shape_cast %reduce_min3A_83 : vector<512xf32> to vector<512x1xf32>
    %le3A_85 = vector.broadcast %broadcast_in_dim3A_84 : vector<512x1xf32> to vector<512x1024xf32>
    %le3A_86 = arith.cmpf ole, %sub3A_81, %le3A_85 : vector<512x1024xf32>
    %jit3A_87 = arith.constant 1024 : i32
    %broadcast_in_dim3A_88 = vector.broadcast %jit3A_87 : i32 to vector<512x1024xi32>
    %select_n3A_89 = arith.select %le3A_86, %iota3A, %broadcast_in_dim3A_88 : vector<512x1024xi1>, vector<512x1024xi32>
    %reduce_min3A_90 = arith.constant dense<2147483647> : vector<512xi32>
    %reduce_min3A_91 = vector.multi_reduction <minsi>, %select_n3A_89, %reduce_min3A_90 [1] : vector<512x1024xi32> to vector<512xi32>
    %broadcast_in_dim3A_92 = vector.shape_cast %reduce_min3A_91 : vector<512xi32> to vector<512x1xi32>
    %eq3A_93 = vector.broadcast %broadcast_in_dim3A_92 : vector<512x1xi32> to vector<512x1024xi32>
    %eq3A_94 = arith.cmpi eq, %iota3A, %eq3A_93 : vector<512x1024xi32>
    %convert_element_type3A_95 = arith.extui %eq3A_94 : vector<512x1024xi1> to vector<512x1024xi32>
    %convert_element_type3A_96 = arith.sitofp %convert_element_type3A_95 : vector<512x1024xi32> to vector<512x1024xf32>
    %convert_element_type3A_97 = arith.truncf %convert_element_type3A_96 : vector<512x1024xf32> to vector<512x1024xbf16>
    %dot_general3A_98 = arith.constant dense<0.000000e+00> : vector<512x64xf32>
    %dot_general3A_99 = tpu.matmul %convert_element_type3A_97, %get3A_69, %dot_general3A_98 {dimension_numbers = #tpu.dot_dimension_numbers<[1], [0], [0], [1], [0, 0, 1, 1], [], []>, transpose_lhs_hint = false} : vector<512x1024xbf16>, vector<1024x64xbf16>, vector<512x64xf32> -> vector<512x64xf32>
    %lt3A_100 = arith.cmpf olt, %broadcast_in_dim3A_84, %select_n3A_59 : vector<512x1xf32>
    %select_n3A_101 = arith.select %lt3A_100, %broadcast_in_dim3A_84, %select_n3A_59 : vector<512x1xi1>, vector<512x1xf32>
    %add3A_102 = arith.constant 1024 : i32
    %add3A_103 = vector.broadcast %add3A_102 : i32 to vector<512x1xi32>
    %add3A_104 = arith.addi %broadcast_in_dim3A_92, %add3A_103 : vector<512x1xi32>
    %select_n3A_105 = arith.select %lt3A_100, %add3A_104, %select_n3A_63 : vector<512x1xi1>, vector<512x1xi32>
    %broadcast_in_dim3A_106 = vector.shape_cast %lt3A_100 : vector<512x1xi1> to vector<512x1xi1>
    %broadcast_in_dim3A_107 = vector.broadcast %broadcast_in_dim3A_106 : vector<512x1xi1> to vector<512x64xi1>
    %select_n3A_108 = arith.select %broadcast_in_dim3A_107, %dot_general3A_99, %select_n3A_66 : vector<512x64xi1>, vector<512x64xf32>
    %get3A_109 = arith.constant 2048 : index
    %get3A_110 = arith.constant 0 : index
    %get3A_111 = vector.load %arg12[%get3A_109, %get3A_110] : memref<8192x64xbf16, #tpu.memory_space<vmem>>, vector<1024x64xbf16>
    %get3A_112 = arith.constant 0 : index
    %get3A_113 = arith.constant 2048 : index
    %get3A_114 = vector.load %arg13[%get3A_112, %get3A_113] : memref<1x8192xf32, #tpu.memory_space<vmem>>, vector<1x1024xf32>
    %add3A_115 = vector.broadcast %broadcast_in_dim3A : vector<512x1xf32> to vector<512x1024xf32>
    %add3A_116 = vector.broadcast %get3A_114 : vector<1x1024xf32> to vector<512x1024xf32>
    %add3A_117 = arith.addf %add3A_115, %add3A_116 : vector<512x1024xf32>
    %dot_general3A_118 = arith.constant dense<0.000000e+00> : vector<512x1024xf32>
    %dot_general3A_119 = tpu.matmul %convert_element_type3A_25, %get3A_111, %dot_general3A_118 {dimension_numbers = #tpu.dot_dimension_numbers<[1], [1], [0], [0], [0, 0, 1, 0], [], []>, transpose_lhs_hint = false} : vector<512x64xbf16>, vector<1024x64xbf16>, vector<512x1024xf32> -> vector<512x1024xf32>
    %mul3A_120 = arith.constant 2.000000e+00 : f32
    %mul3A_121 = vector.broadcast %mul3A_120 : f32 to vector<512x1024xf32>
    %mul3A_122 = arith.mulf %mul3A_121, %dot_general3A_119 : vector<512x1024xf32>
    %sub3A_123 = arith.subf %add3A_117, %mul3A_122 : vector<512x1024xf32>
    %reduce_min3A_124 = arith.constant dense<0x7F800000> : vector<512xf32>
    %reduce_min3A_125 = vector.multi_reduction <minimumf>, %sub3A_123, %reduce_min3A_124 [1] : vector<512x1024xf32> to vector<512xf32>
    %broadcast_in_dim3A_126 = vector.shape_cast %reduce_min3A_125 : vector<512xf32> to vector<512x1xf32>
    %le3A_127 = vector.broadcast %broadcast_in_dim3A_126 : vector<512x1xf32> to vector<512x1024xf32>
    %le3A_128 = arith.cmpf ole, %sub3A_123, %le3A_127 : vector<512x1024xf32>
    %jit3A_129 = arith.constant 1024 : i32
    %broadcast_in_dim3A_130 = vector.broadcast %jit3A_129 : i32 to vector<512x1024xi32>
    %select_n3A_131 = arith.select %le3A_128, %iota3A, %broadcast_in_dim3A_130 : vector<512x1024xi1>, vector<512x1024xi32>
    %reduce_min3A_132 = arith.constant dense<2147483647> : vector<512xi32>
    %reduce_min3A_133 = vector.multi_reduction <minsi>, %select_n3A_131, %reduce_min3A_132 [1] : vector<512x1024xi32> to vector<512xi32>
    %broadcast_in_dim3A_134 = vector.shape_cast %reduce_min3A_133 : vector<512xi32> to vector<512x1xi32>
    %eq3A_135 = vector.broadcast %broadcast_in_dim3A_134 : vector<512x1xi32> to vector<512x1024xi32>
    %eq3A_136 = arith.cmpi eq, %iota3A, %eq3A_135 : vector<512x1024xi32>
    %convert_element_type3A_137 = arith.extui %eq3A_136 : vector<512x1024xi1> to vector<512x1024xi32>
    %convert_element_type3A_138 = arith.sitofp %convert_element_type3A_137 : vector<512x1024xi32> to vector<512x1024xf32>
    %convert_element_type3A_139 = arith.truncf %convert_element_type3A_138 : vector<512x1024xf32> to vector<512x1024xbf16>
    %dot_general3A_140 = arith.constant dense<0.000000e+00> : vector<512x64xf32>
    %dot_general3A_141 = tpu.matmul %convert_element_type3A_139, %get3A_111, %dot_general3A_140 {dimension_numbers = #tpu.dot_dimension_numbers<[1], [0], [0], [1], [0, 0, 1, 1], [], []>, transpose_lhs_hint = false} : vector<512x1024xbf16>, vector<1024x64xbf16>, vector<512x64xf32> -> vector<512x64xf32>
    %lt3A_142 = arith.cmpf olt, %broadcast_in_dim3A_126, %select_n3A_101 : vector<512x1xf32>
    %select_n3A_143 = arith.select %lt3A_142, %broadcast_in_dim3A_126, %select_n3A_101 : vector<512x1xi1>, vector<512x1xf32>
    %add3A_144 = arith.constant 2048 : i32
    %add3A_145 = vector.broadcast %add3A_144 : i32 to vector<512x1xi32>
    %add3A_146 = arith.addi %broadcast_in_dim3A_134, %add3A_145 : vector<512x1xi32>
    %select_n3A_147 = arith.select %lt3A_142, %add3A_146, %select_n3A_105 : vector<512x1xi1>, vector<512x1xi32>
    %broadcast_in_dim3A_148 = vector.shape_cast %lt3A_142 : vector<512x1xi1> to vector<512x1xi1>
    %broadcast_in_dim3A_149 = vector.broadcast %broadcast_in_dim3A_148 : vector<512x1xi1> to vector<512x64xi1>
    %select_n3A_150 = arith.select %broadcast_in_dim3A_149, %dot_general3A_141, %select_n3A_108 : vector<512x64xi1>, vector<512x64xf32>
    %get3A_151 = arith.constant 3072 : index
    %get3A_152 = arith.constant 0 : index
    %get3A_153 = vector.load %arg12[%get3A_151, %get3A_152] : memref<8192x64xbf16, #tpu.memory_space<vmem>>, vector<1024x64xbf16>
    %get3A_154 = arith.constant 0 : index
    %get3A_155 = arith.constant 3072 : index
    %get3A_156 = vector.load %arg13[%get3A_154, %get3A_155] : memref<1x8192xf32, #tpu.memory_space<vmem>>, vector<1x1024xf32>
    %add3A_157 = vector.broadcast %broadcast_in_dim3A : vector<512x1xf32> to vector<512x1024xf32>
    %add3A_158 = vector.broadcast %get3A_156 : vector<1x1024xf32> to vector<512x1024xf32>
    %add3A_159 = arith.addf %add3A_157, %add3A_158 : vector<512x1024xf32>
    %dot_general3A_160 = arith.constant dense<0.000000e+00> : vector<512x1024xf32>
    %dot_general3A_161 = tpu.matmul %convert_element_type3A_25, %get3A_153, %dot_general3A_160 {dimension_numbers = #tpu.dot_dimension_numbers<[1], [1], [0], [0], [0, 0, 1, 0], [], []>, transpose_lhs_hint = false} : vector<512x64xbf16>, vector<1024x64xbf16>, vector<512x1024xf32> -> vector<512x1024xf32>
    %mul3A_162 = arith.constant 2.000000e+00 : f32
    %mul3A_163 = vector.broadcast %mul3A_162 : f32 to vector<512x1024xf32>
    %mul3A_164 = arith.mulf %mul3A_163, %dot_general3A_161 : vector<512x1024xf32>
    %sub3A_165 = arith.subf %add3A_159, %mul3A_164 : vector<512x1024xf32>
    %reduce_min3A_166 = arith.constant dense<0x7F800000> : vector<512xf32>
    %reduce_min3A_167 = vector.multi_reduction <minimumf>, %sub3A_165, %reduce_min3A_166 [1] : vector<512x1024xf32> to vector<512xf32>
    %broadcast_in_dim3A_168 = vector.shape_cast %reduce_min3A_167 : vector<512xf32> to vector<512x1xf32>
    %le3A_169 = vector.broadcast %broadcast_in_dim3A_168 : vector<512x1xf32> to vector<512x1024xf32>
    %le3A_170 = arith.cmpf ole, %sub3A_165, %le3A_169 : vector<512x1024xf32>
    %jit3A_171 = arith.constant 1024 : i32
    %broadcast_in_dim3A_172 = vector.broadcast %jit3A_171 : i32 to vector<512x1024xi32>
    %select_n3A_173 = arith.select %le3A_170, %iota3A, %broadcast_in_dim3A_172 : vector<512x1024xi1>, vector<512x1024xi32>
    %reduce_min3A_174 = arith.constant dense<2147483647> : vector<512xi32>
    %reduce_min3A_175 = vector.multi_reduction <minsi>, %select_n3A_173, %reduce_min3A_174 [1] : vector<512x1024xi32> to vector<512xi32>
    %broadcast_in_dim3A_176 = vector.shape_cast %reduce_min3A_175 : vector<512xi32> to vector<512x1xi32>
    %eq3A_177 = vector.broadcast %broadcast_in_dim3A_176 : vector<512x1xi32> to vector<512x1024xi32>
    %eq3A_178 = arith.cmpi eq, %iota3A, %eq3A_177 : vector<512x1024xi32>
    %convert_element_type3A_179 = arith.extui %eq3A_178 : vector<512x1024xi1> to vector<512x1024xi32>
    %convert_element_type3A_180 = arith.sitofp %convert_element_type3A_179 : vector<512x1024xi32> to vector<512x1024xf32>
    %convert_element_type3A_181 = arith.truncf %convert_element_type3A_180 : vector<512x1024xf32> to vector<512x1024xbf16>
    %dot_general3A_182 = arith.constant dense<0.000000e+00> : vector<512x64xf32>
    %dot_general3A_183 = tpu.matmul %convert_element_type3A_181, %get3A_153, %dot_general3A_182 {dimension_numbers = #tpu.dot_dimension_numbers<[1], [0], [0], [1], [0, 0, 1, 1], [], []>, transpose_lhs_hint = false} : vector<512x1024xbf16>, vector<1024x64xbf16>, vector<512x64xf32> -> vector<512x64xf32>
    %lt3A_184 = arith.cmpf olt, %broadcast_in_dim3A_168, %select_n3A_143 : vector<512x1xf32>
    %select_n3A_185 = arith.select %lt3A_184, %broadcast_in_dim3A_168, %select_n3A_143 : vector<512x1xi1>, vector<512x1xf32>
    %add3A_186 = arith.constant 3072 : i32
    %add3A_187 = vector.broadcast %add3A_186 : i32 to vector<512x1xi32>
    %add3A_188 = arith.addi %broadcast_in_dim3A_176, %add3A_187 : vector<512x1xi32>
    %select_n3A_189 = arith.select %lt3A_184, %add3A_188, %select_n3A_147 : vector<512x1xi1>, vector<512x1xi32>
    %broadcast_in_dim3A_190 = vector.shape_cast %lt3A_184 : vector<512x1xi1> to vector<512x1xi1>
    %broadcast_in_dim3A_191 = vector.broadcast %broadcast_in_dim3A_190 : vector<512x1xi1> to vector<512x64xi1>
    %select_n3A_192 = arith.select %broadcast_in_dim3A_191, %dot_general3A_183, %select_n3A_150 : vector<512x64xi1>, vector<512x64xf32>
    %get3A_193 = arith.constant 4096 : index
    %get3A_194 = arith.constant 0 : index
    %get3A_195 = vector.load %arg12[%get3A_193, %get3A_194] : memref<8192x64xbf16, #tpu.memory_space<vmem>>, vector<1024x64xbf16>
    %get3A_196 = arith.constant 0 : index
    %get3A_197 = arith.constant 4096 : index
    %get3A_198 = vector.load %arg13[%get3A_196, %get3A_197] : memref<1x8192xf32, #tpu.memory_space<vmem>>, vector<1x1024xf32>
    %add3A_199 = vector.broadcast %broadcast_in_dim3A : vector<512x1xf32> to vector<512x1024xf32>
    %add3A_200 = vector.broadcast %get3A_198 : vector<1x1024xf32> to vector<512x1024xf32>
    %add3A_201 = arith.addf %add3A_199, %add3A_200 : vector<512x1024xf32>
    %dot_general3A_202 = arith.constant dense<0.000000e+00> : vector<512x1024xf32>
    %dot_general3A_203 = tpu.matmul %convert_element_type3A_25, %get3A_195, %dot_general3A_202 {dimension_numbers = #tpu.dot_dimension_numbers<[1], [1], [0], [0], [0, 0, 1, 0], [], []>, transpose_lhs_hint = false} : vector<512x64xbf16>, vector<1024x64xbf16>, vector<512x1024xf32> -> vector<512x1024xf32>
    %mul3A_204 = arith.constant 2.000000e+00 : f32
    %mul3A_205 = vector.broadcast %mul3A_204 : f32 to vector<512x1024xf32>
    %mul3A_206 = arith.mulf %mul3A_205, %dot_general3A_203 : vector<512x1024xf32>
    %sub3A_207 = arith.subf %add3A_201, %mul3A_206 : vector<512x1024xf32>
    %reduce_min3A_208 = arith.constant dense<0x7F800000> : vector<512xf32>
    %reduce_min3A_209 = vector.multi_reduction <minimumf>, %sub3A_207, %reduce_min3A_208 [1] : vector<512x1024xf32> to vector<512xf32>
    %broadcast_in_dim3A_210 = vector.shape_cast %reduce_min3A_209 : vector<512xf32> to vector<512x1xf32>
    %le3A_211 = vector.broadcast %broadcast_in_dim3A_210 : vector<512x1xf32> to vector<512x1024xf32>
    %le3A_212 = arith.cmpf ole, %sub3A_207, %le3A_211 : vector<512x1024xf32>
    %jit3A_213 = arith.constant 1024 : i32
    %broadcast_in_dim3A_214 = vector.broadcast %jit3A_213 : i32 to vector<512x1024xi32>
    %select_n3A_215 = arith.select %le3A_212, %iota3A, %broadcast_in_dim3A_214 : vector<512x1024xi1>, vector<512x1024xi32>
    %reduce_min3A_216 = arith.constant dense<2147483647> : vector<512xi32>
    %reduce_min3A_217 = vector.multi_reduction <minsi>, %select_n3A_215, %reduce_min3A_216 [1] : vector<512x1024xi32> to vector<512xi32>
    %broadcast_in_dim3A_218 = vector.shape_cast %reduce_min3A_217 : vector<512xi32> to vector<512x1xi32>
    %eq3A_219 = vector.broadcast %broadcast_in_dim3A_218 : vector<512x1xi32> to vector<512x1024xi32>
    %eq3A_220 = arith.cmpi eq, %iota3A, %eq3A_219 : vector<512x1024xi32>
    %convert_element_type3A_221 = arith.extui %eq3A_220 : vector<512x1024xi1> to vector<512x1024xi32>
    %convert_element_type3A_222 = arith.sitofp %convert_element_type3A_221 : vector<512x1024xi32> to vector<512x1024xf32>
    %convert_element_type3A_223 = arith.truncf %convert_element_type3A_222 : vector<512x1024xf32> to vector<512x1024xbf16>
    %dot_general3A_224 = arith.constant dense<0.000000e+00> : vector<512x64xf32>
    %dot_general3A_225 = tpu.matmul %convert_element_type3A_223, %get3A_195, %dot_general3A_224 {dimension_numbers = #tpu.dot_dimension_numbers<[1], [0], [0], [1], [0, 0, 1, 1], [], []>, transpose_lhs_hint = false} : vector<512x1024xbf16>, vector<1024x64xbf16>, vector<512x64xf32> -> vector<512x64xf32>
    %lt3A_226 = arith.cmpf olt, %broadcast_in_dim3A_210, %select_n3A_185 : vector<512x1xf32>
    %select_n3A_227 = arith.select %lt3A_226, %broadcast_in_dim3A_210, %select_n3A_185 : vector<512x1xi1>, vector<512x1xf32>
    %add3A_228 = arith.constant 4096 : i32
    %add3A_229 = vector.broadcast %add3A_228 : i32 to vector<512x1xi32>
    %add3A_230 = arith.addi %broadcast_in_dim3A_218, %add3A_229 : vector<512x1xi32>
    %select_n3A_231 = arith.select %lt3A_226, %add3A_230, %select_n3A_189 : vector<512x1xi1>, vector<512x1xi32>
    %broadcast_in_dim3A_232 = vector.shape_cast %lt3A_226 : vector<512x1xi1> to vector<512x1xi1>
    %broadcast_in_dim3A_233 = vector.broadcast %broadcast_in_dim3A_232 : vector<512x1xi1> to vector<512x64xi1>
    %select_n3A_234 = arith.select %broadcast_in_dim3A_233, %dot_general3A_225, %select_n3A_192 : vector<512x64xi1>, vector<512x64xf32>
    %get3A_235 = arith.constant 5120 : index
    %get3A_236 = arith.constant 0 : index
    %get3A_237 = vector.load %arg12[%get3A_235, %get3A_236] : memref<8192x64xbf16, #tpu.memory_space<vmem>>, vector<1024x64xbf16>
    %get3A_238 = arith.constant 0 : index
    %get3A_239 = arith.constant 5120 : index
    %get3A_240 = vector.load %arg13[%get3A_238, %get3A_239] : memref<1x8192xf32, #tpu.memory_space<vmem>>, vector<1x1024xf32>
    %add3A_241 = vector.broadcast %broadcast_in_dim3A : vector<512x1xf32> to vector<512x1024xf32>
    %add3A_242 = vector.broadcast %get3A_240 : vector<1x1024xf32> to vector<512x1024xf32>
    %add3A_243 = arith.addf %add3A_241, %add3A_242 : vector<512x1024xf32>
    %dot_general3A_244 = arith.constant dense<0.000000e+00> : vector<512x1024xf32>
    %dot_general3A_245 = tpu.matmul %convert_element_type3A_25, %get3A_237, %dot_general3A_244 {dimension_numbers = #tpu.dot_dimension_numbers<[1], [1], [0], [0], [0, 0, 1, 0], [], []>, transpose_lhs_hint = false} : vector<512x64xbf16>, vector<1024x64xbf16>, vector<512x1024xf32> -> vector<512x1024xf32>
    %mul3A_246 = arith.constant 2.000000e+00 : f32
    %mul3A_247 = vector.broadcast %mul3A_246 : f32 to vector<512x1024xf32>
    %mul3A_248 = arith.mulf %mul3A_247, %dot_general3A_245 : vector<512x1024xf32>
    %sub3A_249 = arith.subf %add3A_243, %mul3A_248 : vector<512x1024xf32>
    %reduce_min3A_250 = arith.constant dense<0x7F800000> : vector<512xf32>
    %reduce_min3A_251 = vector.multi_reduction <minimumf>, %sub3A_249, %reduce_min3A_250 [1] : vector<512x1024xf32> to vector<512xf32>
    %broadcast_in_dim3A_252 = vector.shape_cast %reduce_min3A_251 : vector<512xf32> to vector<512x1xf32>
    %le3A_253 = vector.broadcast %broadcast_in_dim3A_252 : vector<512x1xf32> to vector<512x1024xf32>
    %le3A_254 = arith.cmpf ole, %sub3A_249, %le3A_253 : vector<512x1024xf32>
    %jit3A_255 = arith.constant 1024 : i32
    %broadcast_in_dim3A_256 = vector.broadcast %jit3A_255 : i32 to vector<512x1024xi32>
    %select_n3A_257 = arith.select %le3A_254, %iota3A, %broadcast_in_dim3A_256 : vector<512x1024xi1>, vector<512x1024xi32>
    %reduce_min3A_258 = arith.constant dense<2147483647> : vector<512xi32>
    %reduce_min3A_259 = vector.multi_reduction <minsi>, %select_n3A_257, %reduce_min3A_258 [1] : vector<512x1024xi32> to vector<512xi32>
    %broadcast_in_dim3A_260 = vector.shape_cast %reduce_min3A_259 : vector<512xi32> to vector<512x1xi32>
    %eq3A_261 = vector.broadcast %broadcast_in_dim3A_260 : vector<512x1xi32> to vector<512x1024xi32>
    %eq3A_262 = arith.cmpi eq, %iota3A, %eq3A_261 : vector<512x1024xi32>
    %convert_element_type3A_263 = arith.extui %eq3A_262 : vector<512x1024xi1> to vector<512x1024xi32>
    %convert_element_type3A_264 = arith.sitofp %convert_element_type3A_263 : vector<512x1024xi32> to vector<512x1024xf32>
    %convert_element_type3A_265 = arith.truncf %convert_element_type3A_264 : vector<512x1024xf32> to vector<512x1024xbf16>
    %dot_general3A_266 = arith.constant dense<0.000000e+00> : vector<512x64xf32>
    %dot_general3A_267 = tpu.matmul %convert_element_type3A_265, %get3A_237, %dot_general3A_266 {dimension_numbers = #tpu.dot_dimension_numbers<[1], [0], [0], [1], [0, 0, 1, 1], [], []>, transpose_lhs_hint = false} : vector<512x1024xbf16>, vector<1024x64xbf16>, vector<512x64xf32> -> vector<512x64xf32>
    %lt3A_268 = arith.cmpf olt, %broadcast_in_dim3A_252, %select_n3A_227 : vector<512x1xf32>
    %select_n3A_269 = arith.select %lt3A_268, %broadcast_in_dim3A_252, %select_n3A_227 : vector<512x1xi1>, vector<512x1xf32>
    %add3A_270 = arith.constant 5120 : i32
    %add3A_271 = vector.broadcast %add3A_270 : i32 to vector<512x1xi32>
    %add3A_272 = arith.addi %broadcast_in_dim3A_260, %add3A_271 : vector<512x1xi32>
    %select_n3A_273 = arith.select %lt3A_268, %add3A_272, %select_n3A_231 : vector<512x1xi1>, vector<512x1xi32>
    %broadcast_in_dim3A_274 = vector.shape_cast %lt3A_268 : vector<512x1xi1> to vector<512x1xi1>
    %broadcast_in_dim3A_275 = vector.broadcast %broadcast_in_dim3A_274 : vector<512x1xi1> to vector<512x64xi1>
    %select_n3A_276 = arith.select %broadcast_in_dim3A_275, %dot_general3A_267, %select_n3A_234 : vector<512x64xi1>, vector<512x64xf32>
    %get3A_277 = arith.constant 6144 : index
    %get3A_278 = arith.constant 0 : index
    %get3A_279 = vector.load %arg12[%get3A_277, %get3A_278] : memref<8192x64xbf16, #tpu.memory_space<vmem>>, vector<1024x64xbf16>
    %get3A_280 = arith.constant 0 : index
    %get3A_281 = arith.constant 6144 : index
    %get3A_282 = vector.load %arg13[%get3A_280, %get3A_281] : memref<1x8192xf32, #tpu.memory_space<vmem>>, vector<1x1024xf32>
    %add3A_283 = vector.broadcast %broadcast_in_dim3A : vector<512x1xf32> to vector<512x1024xf32>
    %add3A_284 = vector.broadcast %get3A_282 : vector<1x1024xf32> to vector<512x1024xf32>
    %add3A_285 = arith.addf %add3A_283, %add3A_284 : vector<512x1024xf32>
    %dot_general3A_286 = arith.constant dense<0.000000e+00> : vector<512x1024xf32>
    %dot_general3A_287 = tpu.matmul %convert_element_type3A_25, %get3A_279, %dot_general3A_286 {dimension_numbers = #tpu.dot_dimension_numbers<[1], [1], [0], [0], [0, 0, 1, 0], [], []>, transpose_lhs_hint = false} : vector<512x64xbf16>, vector<1024x64xbf16>, vector<512x1024xf32> -> vector<512x1024xf32>
    %mul3A_288 = arith.constant 2.000000e+00 : f32
    %mul3A_289 = vector.broadcast %mul3A_288 : f32 to vector<512x1024xf32>
    %mul3A_290 = arith.mulf %mul3A_289, %dot_general3A_287 : vector<512x1024xf32>
    %sub3A_291 = arith.subf %add3A_285, %mul3A_290 : vector<512x1024xf32>
    %reduce_min3A_292 = arith.constant dense<0x7F800000> : vector<512xf32>
    %reduce_min3A_293 = vector.multi_reduction <minimumf>, %sub3A_291, %reduce_min3A_292 [1] : vector<512x1024xf32> to vector<512xf32>
    %broadcast_in_dim3A_294 = vector.shape_cast %reduce_min3A_293 : vector<512xf32> to vector<512x1xf32>
    %le3A_295 = vector.broadcast %broadcast_in_dim3A_294 : vector<512x1xf32> to vector<512x1024xf32>
    %le3A_296 = arith.cmpf ole, %sub3A_291, %le3A_295 : vector<512x1024xf32>
    %jit3A_297 = arith.constant 1024 : i32
    %broadcast_in_dim3A_298 = vector.broadcast %jit3A_297 : i32 to vector<512x1024xi32>
    %select_n3A_299 = arith.select %le3A_296, %iota3A, %broadcast_in_dim3A_298 : vector<512x1024xi1>, vector<512x1024xi32>
    %reduce_min3A_300 = arith.constant dense<2147483647> : vector<512xi32>
    %reduce_min3A_301 = vector.multi_reduction <minsi>, %select_n3A_299, %reduce_min3A_300 [1] : vector<512x1024xi32> to vector<512xi32>
    %broadcast_in_dim3A_302 = vector.shape_cast %reduce_min3A_301 : vector<512xi32> to vector<512x1xi32>
    %eq3A_303 = vector.broadcast %broadcast_in_dim3A_302 : vector<512x1xi32> to vector<512x1024xi32>
    %eq3A_304 = arith.cmpi eq, %iota3A, %eq3A_303 : vector<512x1024xi32>
    %convert_element_type3A_305 = arith.extui %eq3A_304 : vector<512x1024xi1> to vector<512x1024xi32>
    %convert_element_type3A_306 = arith.sitofp %convert_element_type3A_305 : vector<512x1024xi32> to vector<512x1024xf32>
    %convert_element_type3A_307 = arith.truncf %convert_element_type3A_306 : vector<512x1024xf32> to vector<512x1024xbf16>
    %dot_general3A_308 = arith.constant dense<0.000000e+00> : vector<512x64xf32>
    %dot_general3A_309 = tpu.matmul %convert_element_type3A_307, %get3A_279, %dot_general3A_308 {dimension_numbers = #tpu.dot_dimension_numbers<[1], [0], [0], [1], [0, 0, 1, 1], [], []>, transpose_lhs_hint = false} : vector<512x1024xbf16>, vector<1024x64xbf16>, vector<512x64xf32> -> vector<512x64xf32>
    %lt3A_310 = arith.cmpf olt, %broadcast_in_dim3A_294, %select_n3A_269 : vector<512x1xf32>
    %select_n3A_311 = arith.select %lt3A_310, %broadcast_in_dim3A_294, %select_n3A_269 : vector<512x1xi1>, vector<512x1xf32>
    %add3A_312 = arith.constant 6144 : i32
    %add3A_313 = vector.broadcast %add3A_312 : i32 to vector<512x1xi32>
    %add3A_314 = arith.addi %broadcast_in_dim3A_302, %add3A_313 : vector<512x1xi32>
    %select_n3A_315 = arith.select %lt3A_310, %add3A_314, %select_n3A_273 : vector<512x1xi1>, vector<512x1xi32>
    %broadcast_in_dim3A_316 = vector.shape_cast %lt3A_310 : vector<512x1xi1> to vector<512x1xi1>
    %broadcast_in_dim3A_317 = vector.broadcast %broadcast_in_dim3A_316 : vector<512x1xi1> to vector<512x64xi1>
    %select_n3A_318 = arith.select %broadcast_in_dim3A_317, %dot_general3A_309, %select_n3A_276 : vector<512x64xi1>, vector<512x64xf32>
    %get3A_319 = arith.constant 7168 : index
    %get3A_320 = arith.constant 0 : index
    %get3A_321 = vector.load %arg12[%get3A_319, %get3A_320] : memref<8192x64xbf16, #tpu.memory_space<vmem>>, vector<1024x64xbf16>
    %get3A_322 = arith.constant 0 : index
    %get3A_323 = arith.constant 7168 : index
    %get3A_324 = vector.load %arg13[%get3A_322, %get3A_323] : memref<1x8192xf32, #tpu.memory_space<vmem>>, vector<1x1024xf32>
    %add3A_325 = vector.broadcast %broadcast_in_dim3A : vector<512x1xf32> to vector<512x1024xf32>
    %add3A_326 = vector.broadcast %get3A_324 : vector<1x1024xf32> to vector<512x1024xf32>
    %add3A_327 = arith.addf %add3A_325, %add3A_326 : vector<512x1024xf32>
    %dot_general3A_328 = arith.constant dense<0.000000e+00> : vector<512x1024xf32>
    %dot_general3A_329 = tpu.matmul %convert_element_type3A_25, %get3A_321, %dot_general3A_328 {dimension_numbers = #tpu.dot_dimension_numbers<[1], [1], [0], [0], [0, 0, 1, 0], [], []>, transpose_lhs_hint = false} : vector<512x64xbf16>, vector<1024x64xbf16>, vector<512x1024xf32> -> vector<512x1024xf32>
    %mul3A_330 = arith.constant 2.000000e+00 : f32
    %mul3A_331 = vector.broadcast %mul3A_330 : f32 to vector<512x1024xf32>
    %mul3A_332 = arith.mulf %mul3A_331, %dot_general3A_329 : vector<512x1024xf32>
    %sub3A_333 = arith.subf %add3A_327, %mul3A_332 : vector<512x1024xf32>
    %reduce_min3A_334 = arith.constant dense<0x7F800000> : vector<512xf32>
    %reduce_min3A_335 = vector.multi_reduction <minimumf>, %sub3A_333, %reduce_min3A_334 [1] : vector<512x1024xf32> to vector<512xf32>
    %broadcast_in_dim3A_336 = vector.shape_cast %reduce_min3A_335 : vector<512xf32> to vector<512x1xf32>
    %le3A_337 = vector.broadcast %broadcast_in_dim3A_336 : vector<512x1xf32> to vector<512x1024xf32>
    %le3A_338 = arith.cmpf ole, %sub3A_333, %le3A_337 : vector<512x1024xf32>
    %jit3A_339 = arith.constant 1024 : i32
    %broadcast_in_dim3A_340 = vector.broadcast %jit3A_339 : i32 to vector<512x1024xi32>
    %select_n3A_341 = arith.select %le3A_338, %iota3A, %broadcast_in_dim3A_340 : vector<512x1024xi1>, vector<512x1024xi32>
    %reduce_min3A_342 = arith.constant dense<2147483647> : vector<512xi32>
    %reduce_min3A_343 = vector.multi_reduction <minsi>, %select_n3A_341, %reduce_min3A_342 [1] : vector<512x1024xi32> to vector<512xi32>
    %broadcast_in_dim3A_344 = vector.shape_cast %reduce_min3A_343 : vector<512xi32> to vector<512x1xi32>
    %eq3A_345 = vector.broadcast %broadcast_in_dim3A_344 : vector<512x1xi32> to vector<512x1024xi32>
    %eq3A_346 = arith.cmpi eq, %iota3A, %eq3A_345 : vector<512x1024xi32>
    %convert_element_type3A_347 = arith.extui %eq3A_346 : vector<512x1024xi1> to vector<512x1024xi32>
    %convert_element_type3A_348 = arith.sitofp %convert_element_type3A_347 : vector<512x1024xi32> to vector<512x1024xf32>
    %convert_element_type3A_349 = arith.truncf %convert_element_type3A_348 : vector<512x1024xf32> to vector<512x1024xbf16>
    %dot_general3A_350 = arith.constant dense<0.000000e+00> : vector<512x64xf32>
    %dot_general3A_351 = tpu.matmul %convert_element_type3A_349, %get3A_321, %dot_general3A_350 {dimension_numbers = #tpu.dot_dimension_numbers<[1], [0], [0], [1], [0, 0, 1, 1], [], []>, transpose_lhs_hint = false} : vector<512x1024xbf16>, vector<1024x64xbf16>, vector<512x64xf32> -> vector<512x64xf32>
    %lt3A_352 = arith.cmpf olt, %broadcast_in_dim3A_336, %select_n3A_311 : vector<512x1xf32>
    %add3A_353 = arith.constant 7168 : i32
    %add3A_354 = vector.broadcast %add3A_353 : i32 to vector<512x1xi32>
    %add3A_355 = arith.addi %broadcast_in_dim3A_344, %add3A_354 : vector<512x1xi32>
    %select_n3A_356 = arith.select %lt3A_352, %add3A_355, %select_n3A_315 : vector<512x1xi1>, vector<512x1xi32>
    %broadcast_in_dim3A_357 = vector.shape_cast %lt3A_352 : vector<512x1xi1> to vector<512x1xi1>
    %broadcast_in_dim3A_358 = vector.broadcast %broadcast_in_dim3A_357 : vector<512x1xi1> to vector<512x64xi1>
    %select_n3A_359 = arith.select %broadcast_in_dim3A_358, %dot_general3A_351, %select_n3A_318 : vector<512x64xi1>, vector<512x64xf32>
    %get3A_360 = arith.constant 0 : index
    %get3A_361 = arith.constant 0 : index
    %get3A_362 = vector.load %arg7[%get3A_360, %get3A_361] : memref<1024x1024xbf16, #tpu.memory_space<vmem>>, vector<1024x1024xbf16>
    %dot_general3A_363 = arith.constant dense<0.000000e+00> : vector<512x1024xf32>
    %dot_general3A_364 = tpu.matmul %convert_element_type3A_13, %get3A_362, %dot_general3A_363 {dimension_numbers = #tpu.dot_dimension_numbers<[1], [1], [0], [0], [0, 0, 1, 0], [], []>, transpose_lhs_hint = false} : vector<512x1024xbf16>, vector<1024x1024xbf16>, vector<512x1024xf32> -> vector<512x1024xf32>
    %convert_element_type3A_365 = arith.truncf %select_n3A_359 : vector<512x64xf32> to vector<512x64xbf16>
    %get3A_366 = arith.constant 0 : index
    %get3A_367 = arith.constant 0 : index
    %get3A_368 = vector.load %arg8[%get3A_366, %get3A_367] : memref<1024x64xbf16, #tpu.memory_space<vmem>>, vector<1024x64xbf16>
    %dot_general3A_369 = arith.constant dense<0.000000e+00> : vector<512x1024xf32>
    %dot_general3A_370 = tpu.matmul %convert_element_type3A_365, %get3A_368, %dot_general3A_369 {dimension_numbers = #tpu.dot_dimension_numbers<[1], [1], [0], [0], [0, 0, 1, 0], [], []>, transpose_lhs_hint = false} : vector<512x64xbf16>, vector<1024x64xbf16>, vector<512x1024xf32> -> vector<512x1024xf32>
    %add3A_371 = arith.addf %dot_general3A_364, %dot_general3A_370 : vector<512x1024xf32>
    %get3A_372 = arith.constant 0 : index
    %get3A_373 = arith.constant 0 : index
    %get3A_374 = vector.load %arg9[%get3A_372, %get3A_373] : memref<1x1024xf32, #tpu.memory_space<vmem>>, vector<1x1024xf32>
    %add3A_375 = vector.broadcast %get3A_374 : vector<1x1024xf32> to vector<512x1024xf32>
    %add3A_376 = arith.addf %add3A_371, %add3A_375 : vector<512x1024xf32>
    %max3A = arith.constant 0.000000e+00 : f32
    %max3A_377 = vector.broadcast %max3A : f32 to vector<512x1024xf32>
    %max3A_378 = arith.maximumf %add3A_376, %max3A_377 : vector<512x1024xf32>
    %convert_element_type3A_379 = arith.truncf %max3A_378 : vector<512x1024xf32> to vector<512x1024xbf16>
    %get3A_380 = arith.constant 0 : index
    %get3A_381 = arith.constant 0 : index
    %get3A_382 = vector.load %arg10[%get3A_380, %get3A_381] : memref<1024x1024xbf16, #tpu.memory_space<vmem>>, vector<1024x1024xbf16>
    %dot_general3A_383 = arith.constant dense<0.000000e+00> : vector<512x1024xf32>
    %dot_general3A_384 = tpu.matmul %convert_element_type3A_379, %get3A_382, %dot_general3A_383 {dimension_numbers = #tpu.dot_dimension_numbers<[1], [1], [0], [0], [0, 0, 1, 0], [], []>, transpose_lhs_hint = false} : vector<512x1024xbf16>, vector<1024x1024xbf16>, vector<512x1024xf32> -> vector<512x1024xf32>
    %get3A_385 = arith.constant 0 : index
    %get3A_386 = arith.constant 0 : index
    %get3A_387 = vector.load %arg11[%get3A_385, %get3A_386] : memref<1x1024xf32, #tpu.memory_space<vmem>>, vector<1x1024xf32>
    %add3A_388 = vector.broadcast %get3A_387 : vector<1x1024xf32> to vector<512x1024xf32>
    %add3A_389 = arith.addf %dot_general3A_384, %add3A_388 : vector<512x1024xf32>
    %add3A_390 = arith.addf %add3A_389, %get3A_1 : vector<512x1024xf32>
    %swap3A = arith.constant 0 : index
    %swap3A_391 = arith.constant 0 : index
    %swap3A_392 = vector.load %arg14[%swap3A, %swap3A_391] : memref<512x1024xf32, #tpu.memory_space<vmem>>, vector<512x1024xf32>
    tpu.vector_store %arg14[%swap3A, %swap3A_391], %add3A_390 {strides = array<i32>} : memref<512x1024xf32, #tpu.memory_space<vmem>>, vector<512x1024xf32>,
    %swap3A_393 = arith.constant 0 : index
    %swap3A_394 = arith.constant 0 : index
    %swap3A_395 = vector.load %arg15[%swap3A_393, %swap3A_394] : memref<512x1xi32, #tpu.memory_space<vmem>>, vector<512x1xi32>
    tpu.vector_store %arg15[%swap3A_393, %swap3A_394], %select_n3A_356 {strides = array<i32>} : memref<512x1xi32, #tpu.memory_space<vmem>>, vector<512x1xi32>,
    return
  }
  func.func @transform_0(%arg0: i32) -> (i32, i32) {
    %c0_i32 = arith.constant 0 : i32
    %c0_i32_0 = arith.constant 0 : i32
    return %arg0, %c0_i32 : i32, i32
  }
  func.func @transform_1(%arg0: i32) -> (i32, i32) {
    %c0_i32 = arith.constant 0 : i32
    %c0_i32_0 = arith.constant 0 : i32
    return %arg0, %c0_i32 : i32, i32
  }
  func.func @transform_2(%arg0: i32) -> (i32, i32) {
    %c0_i32 = arith.constant 0 : i32
    %c0_i32_0 = arith.constant 0 : i32
    %c0_i32_1 = arith.constant 0 : i32
    return %c0_i32, %c0_i32_0 : i32, i32
  }
  func.func @transform_3(%arg0: i32) -> (i32, i32) {
    %c0_i32 = arith.constant 0 : i32
    %c0_i32_0 = arith.constant 0 : i32
    %c0_i32_1 = arith.constant 0 : i32
    return %c0_i32, %c0_i32_0 : i32, i32
  }
  func.func @transform_4(%arg0: i32) -> (i32, i32) {
    %c0_i32 = arith.constant 0 : i32
    %c0_i32_0 = arith.constant 0 : i32
    %c0_i32_1 = arith.constant 0 : i32
    return %c0_i32, %c0_i32_0 : i32, i32
  }
  func.func @transform_5(%arg0: i32) -> (i32, i32) {
    %c0_i32 = arith.constant 0 : i32
    %c0_i32_0 = arith.constant 0 : i32
    %c0_i32_1 = arith.constant 0 : i32
    return %c0_i32, %c0_i32_0 : i32, i32
  }
  func.func @transform_6(%arg0: i32) -> (i32, i32) {
    %c0_i32 = arith.constant 0 : i32
    %c0_i32_0 = arith.constant 0 : i32
    %c0_i32_1 = arith.constant 0 : i32
    return %c0_i32, %c0_i32_0 : i32, i32
  }
  func.func @transform_7(%arg0: i32) -> (i32, i32) {
    %c0_i32 = arith.constant 0 : i32
    %c0_i32_0 = arith.constant 0 : i32
    %c0_i32_1 = arith.constant 0 : i32
    return %c0_i32, %c0_i32_0 : i32, i32
  }
  func.func @transform_8(%arg0: i32) -> (i32, i32) {
    %c0_i32 = arith.constant 0 : i32
    %c0_i32_0 = arith.constant 0 : i32
    %c0_i32_1 = arith.constant 0 : i32
    return %c0_i32, %c0_i32_0 : i32, i32
  }
  func.func @transform_9(%arg0: i32) -> (i32, i32) {
    %c0_i32 = arith.constant 0 : i32
    %c0_i32_0 = arith.constant 0 : i32
    %c0_i32_1 = arith.constant 0 : i32
    return %c0_i32, %c0_i32_0 : i32, i32
  }
  func.func @transform_10(%arg0: i32) -> (i32, i32) {
    %c0_i32 = arith.constant 0 : i32
    %c0_i32_0 = arith.constant 0 : i32
    %c0_i32_1 = arith.constant 0 : i32
    return %c0_i32, %c0_i32_0 : i32, i32
  }
  func.func @transform_11(%arg0: i32) -> (i32, i32) {
    %c0_i32 = arith.constant 0 : i32
    %c0_i32_0 = arith.constant 0 : i32
    %c0_i32_1 = arith.constant 0 : i32
    return %c0_i32, %c0_i32_0 : i32, i32
  }
  func.func @transform_12(%arg0: i32) -> (i32, i32) {
    %c0_i32 = arith.constant 0 : i32
    %c0_i32_0 = arith.constant 0 : i32
    %c0_i32_1 = arith.constant 0 : i32
    return %c0_i32, %c0_i32_0 : i32, i32
  }
  func.func @transform_13(%arg0: i32) -> (i32, i32) {
    %c0_i32 = arith.constant 0 : i32
    %c0_i32_0 = arith.constant 0 : i32
    return %arg0, %c0_i32 : i32, i32
  }
  func.func @transform_14(%arg0: i32) -> (i32, i32) {
    %c0_i32 = arith.constant 0 : i32
    %c0_i32_0 = arith.constant 0 : i32
    return %arg0, %c0_i32 : i32, i32
  }
}

</mosaic_0001>

<sc_bundles>
// kernel: kernel.6.cloned.1.call-start
scs
__scs_entry_jumppad:
0x0: {  	(pc) =	sbr.rel $0x88, $3  }
0x1: {  	(tag) =	ssettag $0x0;
	lr =	simm.s32 $0x1  }
0x2: {  	[smem:$0x3F94] =	sst lr;
	_ =	strace $0xD0000000  }
0x3: {  	_ = 	snop  }
0x4: {  	_ = 	snop  }
0x5: {  	_ = 	snop  }
0x6: {  	_ = 	snop  }
0x7: {  	_ = 	snop  }
__scs_overlays_trampoline_lowered:
0x8: {  	[smem:$0x3FA3] =	sst s0  }
0x9: {  	[smem:$0x3FA4] =	sst s1  }
0xa: {  	[smem:$0x3FA5] =	sst s2  }
0xb: {  	[smem:$0x3FA6] =	sst s3  }
0xc: {  	[smem:$0x3FA7] =	sst s4  }
0xd: {  	[smem:$0x3FA8] =	sst s5  }
0xe: {  	[smem:$0x3FA9] =	sst s6  }
0xf: {  	[smem:$0x3FAA] =	sst s7  }
0x10: {  	[smem:$0x3FAB] =	sst s8  }
0x11: {  	[smem:$0x3FAC] =	sst s9;
	s0 =	simm.s32 @!p0 $0x0  }
0x12: {  	s1 =	sld [smem:$0x3F92];
	s0 =	simm.s32 @p0 $0x1  }
0x13: {  	[smem:$0x3FAD] =	sst s0;
	s0 =	simm.s32 @!p1 $0x0  }
0x14: {  	s2 =	sld [smem:$0x3F91];
	s0 =	simm.s32 @p1 $0x1  }
0x15: {  	[smem:$0x3FAE] =	sst s0;
	s0 =	simm.s32 @!p2 $0x0  }
0x16: {  	s3 =	sld [smem:$0x3FDB];
	s0 =	simm.s32 @p2 $0x1  }
0x17: {  	s4 =	simm.s32 $0x1BF5;
	[smem:$0x3FB0] =	sst s0  }
0x18: {  	s0 =	sld [smem:$0x3F93];
	_ =	swait.ge [sflag:s4], $0x0  }
0x19: {  	s7 =	sld [smem:$0x3F94]  }
0x1a: {  	s8 =	sadd.s32 $0xFFFFE003, lr  }
0x1b: {  	s9 =	sadd.s32 $0xFFFFFEF7, lr;
	s5 =	simm.s32 $0xFFFFFFFF;
	p2 =	slt.u32 s8, $0xFFFFF086  }
0x1c: {  	p1 =	slt.u32 s9, $0xF7A;
	s5 =	simm.s32 @!p2 $0x0  }
0x1d: {  	s5 =	simm.s32 @p1 $0x1;
	p0 =	seq.s32 s7, s2  }
0x1e: {  	s7 =	smul.u32 @!p0 $0xF7A, s2;
	p2 =	seq.s32 @!p0 s5, $0x0  }
0x1f: {  	s9 =	smul.u32 $0xF7A, s1;
	s8 =	simm.s32 @!p0 $0x1BF5;
	p2 =	por !p2, p0  }
0x20: {  	[sflag:s8] =	ssyncset.s32 @!p0 $0xFFFFF086;
	s6 =	sadd.s32 @!p0 s3, s7;
	s7 =	simm.s32 @!p0 $0x108  }
0x21: {  	s3 =	sadd.s32 s3, s9;
	s6 =	sadd.s32 @!p0 $0x88, s6;
	s7 =	simm.s32 @p2 $0x1082  }
0x22: {  	[simem:s7], [sflag:s8] =	dma.local @!p0 [hbm:s6], $0xF7A  }
0x23: {  	s9 =	sor.u32 $0xD0000000, s2;
	s6 =	simm.s32 $0x108;
	_ =	swait.ge @!p0 [sflag:s8], $0x0  }
0x24: {  	s3 =	sadd.s32 $0x88, s3;
	s6 =	simm.s32 @!p1 $0x1082;
	[sflag:s4] =	ssyncset.s32 $0xFFFFF086  }
0x25: {  	[simem:s6], [sflag:s4] =	dma.local [hbm:s3], $0xF7A  }
0x26: {  	[smem:$0x3F94] =	sst s1;
	(tag) =	ssettag s2;
	_ =	strace s9  }
0x27: {  	s1 =	sld [smem:$0x3FA4]  }
0x28: {  	s2 =	sld [smem:$0x3FA5]  }
0x29: {  	s4 =	sld [smem:$0x3FA7]  }
0x2a: {  	p0 =	seq.s32 s5, $0x0;
	s5 =	sld [smem:$0x3FA8]  }
0x2b: {  	s6 =	sld [smem:$0x3FA9]  }
0x2c: {  	s7 =	sld [smem:$0x3FAA]  }
0x2d: {  	s3 =	simm.s32 $0x108;
	s8 =	sld [smem:$0x3FAB]  }
0x2e: {  	s3 =	simm.s32 @!p0 $0x1082;
	s9 =	sld [smem:$0x3FAC]  }
0x2f: {  	lr =	sadd.s32 s0, s3;
	s0 =	sld [smem:$0x3FA3]  }
0x30: {  	s3 =	sld [smem:$0x3FA6]  }
0x31: {  	[smem:$0x3FAF] =	sst s10  }
0x32: {  	s10 =	sld [smem:$0x3FAD];
	_ =	sdelay $0x3  }
0x33: {  	p0 =	seq.s32 s10, $0x1;
	s10 =	sld [smem:$0x3FAF];
	_ =	sdelay $0x3  }
0x34: {  	[smem:$0x3FAF] =	sst s10  }
0x35: {  	s10 =	sld [smem:$0x3FAE];
	_ =	sdelay $0x3  }
0x36: {  	p1 =	seq.s32 s10, $0x1;
	s10 =	sld [smem:$0x3FAF];
	_ =	sdelay $0x3  }
0x37: {  	[smem:$0x3FAF] =	sst s10  }
0x38: {  	s10 =	sld [smem:$0x3FB0]  }
0x39: {  	_ = 	snop;
	(pc) =	sbr.ind lr, $3  }
0x3a: {  	_ = 	snop  }
0x3b: {  	_ = 	snop  }
0x3c: {  	p2 =	seq.s32 s10, $0x1;
	s10 =	sld [smem:$0x3FAF]  }
0x3d: {  	_ =	shalt  }
0x3e: {  	_ =	shalt  }
0x3f: {  	_ =	shalt  }
0x40: {  	_ =	shalt  }
0x41: {  	_ =	shalt  }
0x42: {  	_ =	shalt  }
0x43: {  	_ =	shalt  }
0x44: {  	_ =	shalt  }
0x45: {  	_ =	shalt  }
0x46: {  	_ =	shalt  }
0x47: {  	_ =	shalt  }
0x48: {  	_ =	shalt  }
0x49: {  	_ =	shalt  }
0x4a: {  	_ =	shalt  }
0x4b: {  	_ =	shalt  }
0x4c: {  	_ =	shalt  }
0x4d: {  	_ =	shalt  }
0x4e: {  	_ =	shalt  }
0x4f: {  	_ =	shalt  }
0x50: {  	_ =	shalt  }
0x51: {  	_ =	shalt  }
0x52: {  	_ =	shalt  }
0x53: {  	_ =	shalt  }
0x54: {  	_ =	shalt  }
0x55: {  	_ =	shalt  }
0x56: {  	_ =	shalt  }
0x57: {  	_ =	shalt  }
0x58: {  	_ =	shalt  }
0x59: {  	_ =	shalt  }
0x5a: {  	_ =	shalt  }
0x5b: {  	_ =	shalt  }
0x5c: {  	_ =	shalt  }
0x5d: {  	_ =	shalt  }
0x5e: {  	_ =	shalt  }
0x5f: {  	_ =	shalt  }
0x60: {  	_ =	shalt  }
0x61: {  	_ =	shalt  }
0x62: {  	_ =	shalt  }
0x63: {  	_ =	shalt  }
0x64: {  	_ =	shalt  }
0x65: {  	_ =	shalt  }
0x66: {  	_ =	shalt  }
0x67: {  	_ =	shalt  }
0x68: {  	_ =	shalt  }
0x69: {  	_ =	shalt  }
0x6a: {  	_ =	shalt  }
0x6b: {  	_ =	shalt  }
0x6c: {  	_ =	shalt  }
0x6d: {  	_ =	shalt  }
0x6e: {  	_ =	shalt  }
0x6f: {  	_ =	shalt  }
0x70: {  	_ =	shalt  }
0x71: {  	_ =	shalt  }
0x72: {  	_ =	shalt  }
0x73: {  	_ =	shalt  }
0x74: {  	_ =	shalt  }
0x75: {  	_ =	shalt  }
0x76: {  	_ =	shalt  }
0x77: {  	_ =	shalt  }
0x78: {  	_ =	shalt  }
0x79: {  	_ =	shalt  }
0x7a: {  	_ =	shalt  }
0x7b: {  	_ =	shalt  }
0x7c: {  	_ =	shalt  }
0x7d: {  	_ =	shalt  }
0x7e: {  	_ =	shalt  }
0x7f: {  	_ =	shalt  }
0x80: {  	_ =	shalt  }
0x81: {  	_ =	shalt  }
0x82: {  	_ =	shalt  }
0x83: {  	_ =	shalt  }
0x84: {  	_ =	shalt  }
0x85: {  	_ =	shalt  }
0x86: {  	_ =	shalt  }
0x87: {  	_ =	shalt  }
.Lfunc_end0:
.L_simem_size_0:
called_computation_lowered:
.L_overlay_start_0:
0x88: {  	s2 =	sld [smem:$0x3FD9]  }
0x89: {  	s3 =	sld [smem:$0x3FFE];
	_ =	sdelay $0x1  }
0x8a: {  	s1 =	srdreg.scid  }
0x8b: {  	s0 =	sand.u32 $0x1, s1  }
0x8c: {  	s14 =	sshll.u32 s0, $0xA;
	s2 =	sadd.s32 s3, s2  }
0x8d: {  	s2 =	sadd.s32 s2, s14  }
0x8e: {  	[smem:$0x3FBB] =	sst s2  }
0x8f: {  	_ = 	snop  }
0x90: {  	s2 =	sld [smem:$0x3FD0];
	_ =	sdelay $0x2  }
0x91: {  	s4 =	simm.s32 $0xA;
	s5 =	simm.s32 $0x10;
	s15 =	sld [smem:$0x3FC7]  }
0x92: {  	[smem:s5], [sflag:s4] =	dma.local [hbm:s2], $0x1  }
0x93: {  	_ =	swait.eq [sflag:s4], $0x1  }
0x94: {  	[sflag:s4] =	ssyncset.done $0x0  }
0x95: {  	[sflag:s4] =	ssyncadd.s32 $0xFFFFFFFF  }
0x96: {  	s16 =	sld [smem:$0x12];
	(tm) =	ssettm $0x1  }
0x97: {  	s17 =	sld [smem:$0x3FFB];
	_ =	sdelay $0x3  }
0x98: {  	_ =	strace s17  }
0x99: {  	s4 =	sld [smem:$0x3FFC];
	_ =	sdelay $0x3  }
0x9a: {  	_ =	strace s4  }
0x9b: {  	s4 =	sld [smem:$0x3FFD];
	_ =	sdelay $0x3  }
0x9c: {  	_ =	strace s4  }
0x9d: {  	_ =	strace $0x8FFFFFFF  }
0x9e: {  	s18 =	sld [smem:$0x3FDB];
	_ =	sdelay $0x1  }
0x9f: {  	s19 =	simm.s32 $_scs_section_size  }
0xa0: {  	s6 =	simm.s32 $_size__tile_overlayer_lowered;
	s7 =	simm.s32 $_tile_overlayer_lowered  }
0xa1: {  	s22 =	simm.s32 $0x1BFF;
	s21 =	sshll.u32 s7, $0x1;
	s4 =	sadd.s32 s19, s18  }
0xa2: {  	s8 =	simm.s32 $0x0;
	s20 =	sshll.u32 s6, $0x1;
	s6 =	sadd.s32 s21, s4  }
0xa3: {  	[timem:s8], [sflag:s22] =	dma.local [hbm:s6], s20  }
0xa4: {  	_ =	swait.ge [sflag:s22], s20  }
0xa5: {  	s5 =	ssub.s32 $0x0, s20;
	[sflag:s22] =	ssyncset.done $0x0  }
0xa6: {  	[sflag:s22] =	ssyncadd.s32 s5;
	_ =	sdelay $0x1  }
0xa7: {  	s23 =	simm.s32 $0x1B8B  }
0xa8: {  	_ =	swait.ge [sflag:s23], $0x1  }
0xa9: {  	[sflag:s23] =	ssyncset.done $0x0  }
0xaa: {  	s25 =	simm.s32 $0x1B8E;
	s24 =	sld [smem:$0x3FFE];
	[sflag:s23] =	ssyncadd.s32 $0xFFFFFFFF  }
0xab: {  	s26 =	simm.s32 $execute0_lowered;
	[smem:$0x3FD2] =	sst s25  }
0xac: {  	s6 =	sshll.u32 s26, $0x1;
	_ =	strace $0x80000046;
	[dreg:$0x1] =	wrdreg $0xFFFFFFFF  }
0xad: {  	s28 =	simm.s32 $_size_execute0_lowered;
	s4 =	sadd.s32 s4, s6;
	[dreg:$0x0] =	wrdreg $0x0  }
0xae: {  	s6 =	sshll.u32 s28, $0x1;
	[dreg:$0x2] =	wrdreg s4  }
0xaf: {  	[dreg:$0x3] =	wrdreg s6  }
0xb0: {  	[dreg:$0x4] =	wrdreg $0xC0  }
0xb1: {  	_ =	task [dreg:s8], $0x5FFFF  }
0xb2: {  	[dreg:$0x1] =	wrdreg $0xFFFFFFFF  }
0xb3: {  	[dreg:$0x0] =	wrdreg $0x60  }
0xb4: {  	[dreg:$0x2] =	wrdreg s15  }
0xb5: {  	[dreg:$0x3] =	wrdreg s16  }
0xb6: {  	[dreg:$0x4] =	wrdreg s24  }
0xb7: {  	[dreg:$0x5] =	wrdreg $0x9  }
0xb8: {  	_ =	task.clear_ibuf [dreg:s8], $0x6FFFF;
	_ =	strace $0x90000046  }
0xb9: {  	s29 =	simm.s32 $0x9;
	_ =	strace $0x80000048  }
0xba: {  	_ =	swait.ge [sflag:s29], $0x1  }
0xbb: {  	[sflag:s29] =	ssyncadd.s32 $0xFFFFFFFF  }
0xbc: {  	_ =	strace $0x90000048  }
0xbd: {  	_ =	sfence  }
0xbe: {  	s30 =	sld [smem:$0x0];
	_ =	sdelay $0x2  }
0xbf: {  	s31 =	sshll.u32 s1, $0xD;
	s1 =	sshrl.u32 s1, $0x2  }
0xc0: {  	s3 =	sand.u32 $0x4000, s31;
	s1 =	sadd.s32 s1, s30  }
0xc1: {  	s0 =	sor.u32 s3, s0;
	s1 =	sshll.u32 s1, $0x11  }
0xc2: {  	s0 =	sor.u32 s1, s0  }
0xc3: {  	s0 =	sadd.s32 $0x8F2B, s0  }
0xc4: {  	[sflag:s0] =	ssyncadd.remote.s32 $0x1  }
0xc5: {  	_ =	sfence.sel $0xFFFF  }
0xc6: {  	[dreg:$0x0] =	wrdreg $0xFFFFFFFF;
	(pc) =	sbr.abs _section_cstart, $3  }
0xc7: {  	[dreg:$0x1] =	wrdreg $0xFFFFFFFF  }
0xc8: {  	_ =	task.clear_ibuf [dreg:s8], $0x2FFFF;
	_ =	strace $0x9FFFFFFF  }
0xc9: {  	(tm) =	ssettm $0x7FFFFFFF  }
tec
execute0_lowered:
.L_overlay_start_1:
0x0: {  	(tag) =	ssettag $0x1  }
0x1: {  	s1 =	rddreg [dreg:$0x0]  }
0x2: {  	s0 =	rddreg [dreg:$0x1]  }
0x3: {  	s2 =	rddreg [dreg:$0x2]  }
0x4: {  	s4 =	srdreg.scid;
	s3 =	simm.s32 $0x0;
	s5 =	stileid.u32  }
0x5: {  	s8 =	simm.s32 $0x1;
	s19 =	simm.s32 $0x3;
	s20 =	simm.s32 $0x2  }
0x6: {  	s21 =	simm.s32 $0x4;
	s28 =	simm.s32 $0x2080;
	s29 =	simm.s32 $0x2880  }
0x7: {  	s30 =	simm.s32 $0x3080;
	s31 =	simm.s32 $0x3880;
	s10 =	simm.s32 $0x5080  }
0x8: {  	s11 =	simm.s32 $0x5880;
	s12 =	simm.s32 $0x6080;
	s13 =	simm.s32 $0x6880  }
0x9: {  	s14 =	simm.s32 $0x7080;
	s15 =	simm.s32 $0x7880;
	s18 =	simm.s32 $0x8080  }
0xa: {  	s16 =	simm.s32 $0x8880;
	s17 =	simm.s32 $0x9080;
	s4 =	sand.u32 $0x1, s4  }
0xb: {  	[smem:$0x7FF] =	sst s3;
	s5 =	sshll.u32 s5, $0x8;
	s6 =	sshll.u32 s4, $0x7  }
0xc: {  	_ =	strace $0x80000047;
	s4 =	ssub.s32 $0x2, s4;
	s5 =	sor.u32 s6, s5  }
0xd: {  	s22 =	sshrl.u32 s4, $0x1;
	s6 =	sshll.u32 s5, $0x7;
	s5 =	sshrl.u32 s5, $0x3  }
0xe: {  	s7 =	ssub.s32 s4, s22;
	s2 =	sadd.s32 s6, s2;
	s0 =	sadd.s32 s0, s5  }
0xf: {  	s4 =	sadd.s32 $0x100, s1;
	[dreg:$0x4] =	wrdreg s0;
	s23 =	sadd.s32 $0x2800, s2  }
0x10: {  	s5 =	sadd.s32 $0x200, s1;
	s24 =	sadd.s32 $0x3800, s2;
	[dreg:$0x5] =	wrdreg s23  }
0x11: {  	s6 =	sadd.s32 $0x300, s1;
	s25 =	sadd.s32 $0x4800, s2;
	[dreg:$0x6] =	wrdreg s24  }
0x12: {  	v2 =	vlaneseq.u32;
	s7 =	smax.u32 s7, $0x1;
	s26 =	sadd.s32 $0x5800, s2;
	[dreg:$0x7] =	wrdreg s25  }
0x13: {  	vm0 =	vmmov $0xffff;
	v1 =	vshrl.u32 v2, $0x3;
	s2 =	simm.s32 $0x4880;
	[dreg:$0x8] =	wrdreg s26;
	s25 =	simm.s32 $0x80  }
0x14: {  	v0 =	vand.u32 $0x7, v2;
	v2 =	vor.u32 $0x8, v2;
	v1 =	vmul.u32 $0x8, v1;
	s23 =	simm.s32 $0x880;
	s24 =	simm.s32 $0x1080;
	s26 =	simm.s32 $0x1880  }
.LBB2_1:
0x15: {  	s22 =	rddreg [dreg:$0x4];
	s0 =	simm.s32 $0x5  }
0x16: {  	[tilespmem:s3], [sflag:$0x5] =	stream.linear.gather [hbm4b:s22+s3], $0x80, $0x38;
	[tilespmem:$0x10080] =	vst v63  }
0x17: {  	_ =	swait.ge [sflag:s0], $0x80  }
0x18: {  	[sflag:s0] =	ssyncset.done $0x0  }
0x19: {  	[sflag:s0] =	ssyncadd.s32 $0xFFFFFF80  }
0x1a: {  	v3 =	vld [tilespmem:$0x0];
	_ =	sdelay $0x4  }
0x1b: {  	v4 =	vshll.u32 v3, $0x3  }
0x1c: {  	v3 =	vand.u32 $0x7, v3;
	v4 =	vand.u32 $0xFFFFFFC0, v4  }
0x1d: {  	v3 =	vor.u32 v3, v4  }
0x1e: {  	v4 =	vperm.xlane v3, v0;
	_ =	sdelay $0x1  }
0x1f: {  	v4 =	vadd.s32 v1, v4;
	_ =	sdelay $0x4  }
0x20: {  	[tilespmem:s25], [sflag:$0x1] =	stream.indirect_vreg.gather [hbm4b:s1+s3], $0x80, v4, vm0, $0xb8;
	[tilespmem:$0x10080] =	vst v63  }
0x21: {  	v3 =	vperm.xlane v3, v2  }
0x22: {  	[tilespmem:s23], [sflag:$0x1] =	stream.indirect_vreg.gather [hbm4b:s4+s3], $0x80, v4, vm0, $0xb8;
	[tilespmem:$0x10080] =	vst v63  }
0x23: {  	v3 =	vadd.s32 v1, v3  }
0x24: {  	[tilespmem:s24], [sflag:$0x1] =	stream.indirect_vreg.gather [hbm4b:s5+s3], $0x80, v4, vm0, $0xb8;
	[tilespmem:$0x10080] =	vst v63  }
0x25: {  	_ = 	snop  }
0x26: {  	[tilespmem:s26], [sflag:$0x1] =	stream.indirect_vreg.gather [hbm4b:s6+s3], $0x80, v4, vm0, $0xb8;
	[tilespmem:$0x10080] =	vst v63  }
0x27: {  	_ = 	snop  }
0x28: {  	[tilespmem:s28], [sflag:$0x1] =	stream.indirect_vreg.gather [hbm4b:s1+s3], $0x80, v3, vm0, $0xb8;
	[tilespmem:$0x10080] =	vst v63  }
0x29: {  	_ = 	snop  }
0x2a: {  	[tilespmem:s29], [sflag:$0x1] =	stream.indirect_vreg.gather [hbm4b:s4+s3], $0x80, v3, vm0, $0xb8;
	[tilespmem:$0x10080] =	vst v63  }
0x2b: {  	_ = 	snop  }
0x2c: {  	[tilespmem:s30], [sflag:$0x1] =	stream.indirect_vreg.gather [hbm4b:s5+s3], $0x80, v3, vm0, $0xb8;
	[tilespmem:$0x10080] =	vst v63  }
0x2d: {  	_ = 	snop  }
0x2e: {  	[tilespmem:s31], [sflag:$0x1] =	stream.indirect_vreg.gather [hbm4b:s6+s3], $0x80, v3, vm0, $0xb8;
	[tilespmem:$0x10080] =	vst v63  }
0x2f: {  	v3 =	vld [tilespmem:$0x10];
	_ =	sdelay $0x4  }
0x30: {  	v57 =	vshll.u32 v3, $0x3  }
0x31: {  	v3 =	vand.u32 $0x7, v3;
	v4 =	vand.u32 $0xFFFFFFC0, v57  }
0x32: {  	v3 =	vor.u32 v3, v4  }
0x33: {  	v4 =	vperm.xlane v3, v0;
	_ =	sdelay $0x1  }
0x34: {  	v4 =	vadd.s32 v1, v4;
	_ =	sdelay $0x3  }
0x35: {  	s0 =	simm.s32 $0x4080  }
0x36: {  	[tilespmem:s0], [sflag:$0x1] =	stream.indirect_vreg.gather [hbm4b:s1+s3], $0x80, v4, vm0, $0xb8;
	[tilespmem:$0x10080] =	vst v63  }
0x37: {  	v3 =	vperm.xlane v3, v2  }
0x38: {  	[tilespmem:s2], [sflag:$0x1] =	stream.indirect_vreg.gather [hbm4b:s4+s3], $0x80, v4, vm0, $0xb8;
	[tilespmem:$0x10080] =	vst v63  }
0x39: {  	v3 =	vadd.s32 v1, v3  }
0x3a: {  	[tilespmem:s10], [sflag:$0x1] =	stream.indirect_vreg.gather [hbm4b:s5+s3], $0x80, v4, vm0, $0xb8;
	[tilespmem:$0x10080] =	vst v63  }
0x3b: {  	_ = 	snop  }
0x3c: {  	[tilespmem:s11], [sflag:$0x1] =	stream.indirect_vreg.gather [hbm4b:s6+s3], $0x80, v4, vm0, $0xb8;
	[tilespmem:$0x10080] =	vst v63  }
0x3d: {  	_ = 	snop  }
0x3e: {  	[tilespmem:s12], [sflag:$0x1] =	stream.indirect_vreg.gather [hbm4b:s1+s3], $0x80, v3, vm0, $0xb8;
	[tilespmem:$0x10080] =	vst v63  }
0x3f: {  	_ = 	snop  }
0x40: {  	[tilespmem:s13], [sflag:$0x1] =	stream.indirect_vreg.gather [hbm4b:s4+s3], $0x80, v3, vm0, $0xb8;
	[tilespmem:$0x10080] =	vst v63  }
0x41: {  	_ = 	snop  }
0x42: {  	[tilespmem:s14], [sflag:$0x1] =	stream.indirect_vreg.gather [hbm4b:s5+s3], $0x80, v3, vm0, $0xb8;
	[tilespmem:$0x10080] =	vst v63  }
0x43: {  	_ = 	snop  }
0x44: {  	[tilespmem:s15], [sflag:$0x1] =	stream.indirect_vreg.gather [hbm4b:s6+s3], $0x80, v3, vm0, $0xb8;
	[tilespmem:$0x10080] =	vst v63  }
0x45: {  	v3 =	vld [tilespmem:$0x20];
	_ =	sdelay $0x4  }
0x46: {  	v58 =	vshll.u32 v3, $0x3  }
0x47: {  	v3 =	vand.u32 $0x7, v3;
	v4 =	vand.u32 $0xFFFFFFC0, v58  }
0x48: {  	v3 =	vor.u32 v3, v4  }
0x49: {  	v4 =	vperm.xlane v3, v0;
	_ =	sdelay $0x1  }
0x4a: {  	v4 =	vadd.s32 v1, v4;
	_ =	sdelay $0x4  }
0x4b: {  	[tilespmem:s18], [sflag:$0x2] =	stream.indirect_vreg.gather [hbm4b:s1+s3], $0x80, v4, vm0, $0xb8;
	[tilespmem:$0x10080] =	vst v63  }
0x4c: {  	v3 =	vperm.xlane v3, v2  }
0x4d: {  	[tilespmem:s16], [sflag:$0x2] =	stream.indirect_vreg.gather [hbm4b:s4+s3], $0x80, v4, vm0, $0xb8;
	[tilespmem:$0x10080] =	vst v63  }
0x4e: {  	v3 =	vadd.s32 v1, v3  }
0x4f: {  	[tilespmem:s17], [sflag:$0x2] =	stream.indirect_vreg.gather [hbm4b:s5+s3], $0x80, v4, vm0, $0xb8;
	[tilespmem:$0x10080] =	vst v63  }
0x50: {  	s9 =	simm.s32 $0x9880  }
0x51: {  	[tilespmem:s9], [sflag:$0x2] =	stream.indirect_vreg.gather [hbm4b:s6+s3], $0x80, v4, vm0, $0xb8;
	[tilespmem:$0x10080] =	vst v63  }
0x52: {  	s9 =	simm.s32 $0xA080  }
0x53: {  	[tilespmem:s9], [sflag:$0x2] =	stream.indirect_vreg.gather [hbm4b:s1+s3], $0x80, v3, vm0, $0xb8;
	[tilespmem:$0x10080] =	vst v63  }
0x54: {  	s22 =	simm.s32 $0xA880  }
0x55: {  	[tilespmem:s22], [sflag:$0x2] =	stream.indirect_vreg.gather [hbm4b:s4+s3], $0x80, v3, vm0, $0xb8;
	[tilespmem:$0x10080] =	vst v63  }
0x56: {  	s22 =	simm.s32 $0xB080  }
0x57: {  	[tilespmem:s22], [sflag:$0x2] =	stream.indirect_vreg.gather [hbm4b:s5+s3], $0x80, v3, vm0, $0xb8;
	[tilespmem:$0x10080] =	vst v63  }
0x58: {  	s22 =	simm.s32 $0xB880  }
0x59: {  	[tilespmem:s22], [sflag:$0x2] =	stream.indirect_vreg.gather [hbm4b:s6+s3], $0x80, v3, vm0, $0xb8;
	[tilespmem:$0x10080] =	vst v63  }
0x5a: {  	v3 =	vld [tilespmem:$0x30];
	_ =	sdelay $0x4  }
0x5b: {  	v59 =	vshll.u32 v3, $0x3  }
0x5c: {  	v3 =	vand.u32 $0x7, v3;
	v4 =	vand.u32 $0xFFFFFFC0, v59  }
0x5d: {  	v3 =	vor.u32 v3, v4  }
0x5e: {  	v4 =	vperm.xlane v3, v0;
	_ =	sdelay $0x1  }
0x5f: {  	v4 =	vadd.s32 v1, v4;
	_ =	sdelay $0x3  }
0x60: {  	s22 =	simm.s32 $0xC080  }
0x61: {  	[tilespmem:s22], [sflag:$0x2] =	stream.indirect_vreg.gather [hbm4b:s1+s3], $0x80, v4, vm0, $0xb8;
	[tilespmem:$0x10080] =	vst v63  }
0x62: {  	v3 =	vperm.xlane v3, v2;
	s22 =	simm.s32 $0xC880  }
0x63: {  	[tilespmem:s22], [sflag:$0x2] =	stream.indirect_vreg.gather [hbm4b:s4+s3], $0x80, v4, vm0, $0xb8;
	[tilespmem:$0x10080] =	vst v63  }
0x64: {  	v3 =	vadd.s32 v1, v3;
	s22 =	simm.s32 $0xD080  }
0x65: {  	[tilespmem:s22], [sflag:$0x2] =	stream.indirect_vreg.gather [hbm4b:s5+s3], $0x80, v4, vm0, $0xb8;
	[tilespmem:$0x10080] =	vst v63  }
0x66: {  	s22 =	simm.s32 $0xD880  }
0x67: {  	[tilespmem:s22], [sflag:$0x2] =	stream.indirect_vreg.gather [hbm4b:s6+s3], $0x80, v4, vm0, $0xb8;
	[tilespmem:$0x10080] =	vst v63  }
0x68: {  	s22 =	simm.s32 $0xE080  }
0x69: {  	[tilespmem:s22], [sflag:$0x2] =	stream.indirect_vreg.gather [hbm4b:s1+s3], $0x80, v3, vm0, $0xb8;
	[tilespmem:$0x10080] =	vst v63  }
0x6a: {  	s22 =	simm.s32 $0xE880  }
0x6b: {  	[tilespmem:s22], [sflag:$0x2] =	stream.indirect_vreg.gather [hbm4b:s4+s3], $0x80, v3, vm0, $0xb8;
	[tilespmem:$0x10080] =	vst v63  }
0x6c: {  	s22 =	simm.s32 $0xF080  }
0x6d: {  	[tilespmem:s22], [sflag:$0x2] =	stream.indirect_vreg.gather [hbm4b:s5+s3], $0x80, v3, vm0, $0xb8;
	[tilespmem:$0x10080] =	vst v63  }
0x6e: {  	s22 =	simm.s32 $0xF880  }
0x6f: {  	[tilespmem:s22], [sflag:$0x2] =	stream.indirect_vreg.gather [hbm4b:s6+s3], $0x80, v3, vm0, $0xb8;
	[tilespmem:$0x10080] =	vst v63  }
0x70: {  	_ =	swait.ge [sflag:s8], $0x8000  }
0x71: {  	[sflag:s8] =	ssyncset.done $0x0  }
0x72: {  	s22 =	rddreg [dreg:$0x5];
	[sflag:s8] =	ssyncadd.s32 $0xFFFF8000  }
0x73: {  	[hbm4b:s22+s3] =	stream.linear.scatter [tilespmem:s25], [sflag:$0x3], $0x8000, $0x38;
	[tilespmem:$0x10080] =	vst v63  }
0x74: {  	_ =	swait.ge [sflag:s19], $0x8000  }
0x75: {  	[sflag:s19] =	ssyncset.done $0x0  }
0x76: {  	[sflag:s19] =	ssyncadd.s32 $0xFFFF8000  }
0x77: {  	v3 =	vld [tilespmem:$0x40];
	_ =	sdelay $0x4  }
0x78: {  	v60 =	vshll.u32 v3, $0x3  }
0x79: {  	v3 =	vand.u32 $0x7, v3;
	v4 =	vand.u32 $0xFFFFFFC0, v60  }
0x7a: {  	v3 =	vor.u32 v3, v4  }
0x7b: {  	v4 =	vperm.xlane v3, v0;
	_ =	sdelay $0x1  }
0x7c: {  	v4 =	vadd.s32 v1, v4;
	_ =	sdelay $0x4  }
0x7d: {  	[tilespmem:s25], [sflag:$0x1] =	stream.indirect_vreg.gather [hbm4b:s1+s3], $0x80, v4, vm0, $0xb8;
	[tilespmem:$0x10080] =	vst v63  }
0x7e: {  	v3 =	vperm.xlane v3, v2  }
0x7f: {  	[tilespmem:s23], [sflag:$0x1] =	stream.indirect_vreg.gather [hbm4b:s4+s3], $0x80, v4, vm0, $0xb8;
	[tilespmem:$0x10080] =	vst v63  }
0x80: {  	v3 =	vadd.s32 v1, v3  }
0x81: {  	[tilespmem:s24], [sflag:$0x1] =	stream.indirect_vreg.gather [hbm4b:s5+s3], $0x80, v4, vm0, $0xb8;
	[tilespmem:$0x10080] =	vst v63  }
0x82: {  	_ = 	snop  }
0x83: {  	[tilespmem:s26], [sflag:$0x1] =	stream.indirect_vreg.gather [hbm4b:s6+s3], $0x80, v4, vm0, $0xb8;
	[tilespmem:$0x10080] =	vst v63  }
0x84: {  	_ = 	snop  }
0x85: {  	[tilespmem:s28], [sflag:$0x1] =	stream.indirect_vreg.gather [hbm4b:s1+s3], $0x80, v3, vm0, $0xb8;
	[tilespmem:$0x10080] =	vst v63  }
0x86: {  	_ = 	snop  }
0x87: {  	[tilespmem:s29], [sflag:$0x1] =	stream.indirect_vreg.gather [hbm4b:s4+s3], $0x80, v3, vm0, $0xb8;
	[tilespmem:$0x10080] =	vst v63  }
0x88: {  	_ = 	snop  }
0x89: {  	[tilespmem:s30], [sflag:$0x1] =	stream.indirect_vreg.gather [hbm4b:s5+s3], $0x80, v3, vm0, $0xb8;
	[tilespmem:$0x10080] =	vst v63  }
0x8a: {  	_ = 	snop  }
0x8b: {  	[tilespmem:s31], [sflag:$0x1] =	stream.indirect_vreg.gather [hbm4b:s6+s3], $0x80, v3, vm0, $0xb8;
	[tilespmem:$0x10080] =	vst v63  }
0x8c: {  	v3 =	vld [tilespmem:$0x50];
	_ =	sdelay $0x4  }
0x8d: {  	v61 =	vshll.u32 v3, $0x3  }
0x8e: {  	v3 =	vand.u32 $0x7, v3;
	v4 =	vand.u32 $0xFFFFFFC0, v61  }
0x8f: {  	v3 =	vor.u32 v3, v4  }
0x90: {  	v4 =	vperm.xlane v3, v0;
	_ =	sdelay $0x1  }
0x91: {  	v4 =	vadd.s32 v1, v4;
	_ =	sdelay $0x4  }
0x92: {  	[tilespmem:s0], [sflag:$0x1] =	stream.indirect_vreg.gather [hbm4b:s1+s3], $0x80, v4, vm0, $0xb8;
	[tilespmem:$0x10080] =	vst v63  }
0x93: {  	v3 =	vperm.xlane v3, v2  }
0x94: {  	[tilespmem:s2], [sflag:$0x1] =	stream.indirect_vreg.gather [hbm4b:s4+s3], $0x80, v4, vm0, $0xb8;
	[tilespmem:$0x10080] =	vst v63  }
0x95: {  	v3 =	vadd.s32 v1, v3  }
0x96: {  	[tilespmem:s10], [sflag:$0x1] =	stream.indirect_vreg.gather [hbm4b:s5+s3], $0x80, v4, vm0, $0xb8;
	[tilespmem:$0x10080] =	vst v63  }
0x97: {  	_ = 	snop  }
0x98: {  	[tilespmem:s11], [sflag:$0x1] =	stream.indirect_vreg.gather [hbm4b:s6+s3], $0x80, v4, vm0, $0xb8;
	[tilespmem:$0x10080] =	vst v63  }
0x99: {  	_ = 	snop  }
0x9a: {  	[tilespmem:s12], [sflag:$0x1] =	stream.indirect_vreg.gather [hbm4b:s1+s3], $0x80, v3, vm0, $0xb8;
	[tilespmem:$0x10080] =	vst v63  }
0x9b: {  	_ = 	snop  }
0x9c: {  	[tilespmem:s13], [sflag:$0x1] =	stream.indirect_vreg.gather [hbm4b:s4+s3], $0x80, v3, vm0, $0xb8;
	[tilespmem:$0x10080] =	vst v63  }
0x9d: {  	_ = 	snop  }
0x9e: {  	[tilespmem:s14], [sflag:$0x1] =	stream.indirect_vreg.gather [hbm4b:s5+s3], $0x80, v3, vm0, $0xb8;
	[tilespmem:$0x10080] =	vst v63  }
0x9f: {  	_ = 	snop  }
0xa0: {  	[tilespmem:s15], [sflag:$0x1] =	stream.indirect_vreg.gather [hbm4b:s6+s3], $0x80, v3, vm0, $0xb8;
	[tilespmem:$0x10080] =	vst v63  }
0xa1: {  	_ =	swait.ge [sflag:s20], $0x8000  }
0xa2: {  	[sflag:s20] =	ssyncset.done $0x0  }
0xa3: {  	s0 =	rddreg [dreg:$0x6];
	[sflag:s20] =	ssyncadd.s32 $0xFFFF8000  }
0xa4: {  	[hbm4b:s0+s3] =	stream.linear.scatter [tilespmem:s18], [sflag:$0x4], $0x8000, $0x38;
	[tilespmem:$0x10080] =	vst v63  }
0xa5: {  	_ =	swait.ge [sflag:s21], $0x8000  }
0xa6: {  	[sflag:s21] =	ssyncset.done $0x0  }
0xa7: {  	[sflag:s21] =	ssyncadd.s32 $0xFFFF8000  }
0xa8: {  	v3 =	vld [tilespmem:$0x60];
	_ =	sdelay $0x4  }
0xa9: {  	v62 =	vshll.u32 v3, $0x3  }
0xaa: {  	v3 =	vand.u32 $0x7, v3;
	v4 =	vand.u32 $0xFFFFFFC0, v62  }
0xab: {  	v3 =	vor.u32 v3, v4  }
0xac: {  	v4 =	vperm.xlane v3, v0;
	_ =	sdelay $0x1  }
0xad: {  	v4 =	vadd.s32 v1, v4;
	_ =	sdelay $0x4  }
0xae: {  	[tilespmem:s18], [sflag:$0x2] =	stream.indirect_vreg.gather [hbm4b:s1+s3], $0x80, v4, vm0, $0xb8;
	[tilespmem:$0x10080] =	vst v63  }
0xaf: {  	v3 =	vperm.xlane v3, v2  }
0xb0: {  	[tilespmem:s16], [sflag:$0x2] =	stream.indirect_vreg.gather [hbm4b:s4+s3], $0x80, v4, vm0, $0xb8;
	[tilespmem:$0x10080] =	vst v63  }
0xb1: {  	v3 =	vadd.s32 v1, v3  }
0xb2: {  	[tilespmem:s17], [sflag:$0x2] =	stream.indirect_vreg.gather [hbm4b:s5+s3], $0x80, v4, vm0, $0xb8;
	[tilespmem:$0x10080] =	vst v63  }
0xb3: {  	s22 =	simm.s32 $0x9880  }
0xb4: {  	[tilespmem:s22], [sflag:$0x2] =	stream.indirect_vreg.gather [hbm4b:s6+s3], $0x80, v4, vm0, $0xb8;
	[tilespmem:$0x10080] =	vst v63  }
0xb5: {  	_ = 	snop  }
0xb6: {  	[tilespmem:s9], [sflag:$0x2] =	stream.indirect_vreg.gather [hbm4b:s1+s3], $0x80, v3, vm0, $0xb8;
	[tilespmem:$0x10080] =	vst v63  }
0xb7: {  	s22 =	simm.s32 $0xA880  }
0xb8: {  	[tilespmem:s22], [sflag:$0x2] =	stream.indirect_vreg.gather [hbm4b:s4+s3], $0x80, v3, vm0, $0xb8;
	[tilespmem:$0x10080] =	vst v63  }
0xb9: {  	s9 =	simm.s32 $0xB080  }
0xba: {  	[tilespmem:s9], [sflag:$0x2] =	stream.indirect_vreg.gather [hbm4b:s5+s3], $0x80, v3, vm0, $0xb8;
	[tilespmem:$0x10080] =	vst v63  }
0xbb: {  	s22 =	simm.s32 $0xB880  }
0xbc: {  	[tilespmem:s22], [sflag:$0x2] =	stream.indirect_vreg.gather [hbm4b:s6+s3], $0x80, v3, vm0, $0xb8;
	[tilespmem:$0x10080] =	vst v63  }
0xbd: {  	v3 =	vld [tilespmem:$0x70];
	_ =	sdelay $0x4  }
0xbe: {  	v63 =	vshll.u32 v3, $0x3  }
0xbf: {  	v3 =	vand.u32 $0x7, v3;
	v4 =	vand.u32 $0xFFFFFFC0, v63  }
0xc0: {  	v3 =	vor.u32 v3, v4  }
0xc1: {  	v4 =	vperm.xlane v3, v0;
	_ =	sdelay $0x1  }
0xc2: {  	v4 =	vadd.s32 v1, v4;
	_ =	sdelay $0x3  }
0xc3: {  	s9 =	simm.s32 $0xC080  }
0xc4: {  	[tilespmem:s9], [sflag:$0x2] =	stream.indirect_vreg.gather [hbm4b:s1+s3], $0x80, v4, vm0, $0xb8;
	[tilespmem:$0x10080] =	vst v63  }
0xc5: {  	s22 =	simm.s32 $0xC880;
	v3 =	vperm.xlane v3, v2  }
0xc6: {  	[tilespmem:s22], [sflag:$0x2] =	stream.indirect_vreg.gather [hbm4b:s4+s3], $0x80, v4, vm0, $0xb8;
	[tilespmem:$0x10080] =	vst v63  }
0xc7: {  	v3 =	vadd.s32 v1, v3;
	s9 =	simm.s32 $0xD080  }
0xc8: {  	[tilespmem:s9], [sflag:$0x2] =	stream.indirect_vreg.gather [hbm4b:s5+s3], $0x80, v4, vm0, $0xb8;
	[tilespmem:$0x10080] =	vst v63  }
0xc9: {  	s22 =	simm.s32 $0xD880  }
0xca: {  	[tilespmem:s22], [sflag:$0x2] =	stream.indirect_vreg.gather [hbm4b:s6+s3], $0x80, v4, vm0, $0xb8;
	[tilespmem:$0x10080] =	vst v63  }
0xcb: {  	s9 =	simm.s32 $0xE080  }
0xcc: {  	[tilespmem:s9], [sflag:$0x2] =	stream.indirect_vreg.gather [hbm4b:s1+s3], $0x80, v3, vm0, $0xb8;
	[tilespmem:$0x10080] =	vst v63  }
0xcd: {  	s22 =	simm.s32 $0xE880  }
0xce: {  	[tilespmem:s22], [sflag:$0x2] =	stream.indirect_vreg.gather [hbm4b:s4+s3], $0x80, v3, vm0, $0xb8;
	[tilespmem:$0x10080] =	vst v63  }
0xcf: {  	s9 =	simm.s32 $0xF080  }
0xd0: {  	[tilespmem:s9], [sflag:$0x2] =	stream.indirect_vreg.gather [hbm4b:s5+s3], $0x80, v3, vm0, $0xb8;
	[tilespmem:$0x10080] =	vst v63  }
0xd1: {  	s22 =	simm.s32 $0xF880  }
0xd2: {  	[tilespmem:s22], [sflag:$0x2] =	stream.indirect_vreg.gather [hbm4b:s6+s3], $0x80, v3, vm0, $0xb8;
	[tilespmem:$0x10080] =	vst v63  }
0xd3: {  	_ =	swait.ge [sflag:s8], $0x8000  }
0xd4: {  	[sflag:s8] =	ssyncset.done $0x0  }
0xd5: {  	s0 =	rddreg [dreg:$0x7];
	[sflag:s8] =	ssyncadd.s32 $0xFFFF8000  }
0xd6: {  	[hbm4b:s0+s3] =	stream.linear.scatter [tilespmem:s25], [sflag:$0x3], $0x8000, $0x38;
	[tilespmem:$0x10080] =	vst v63  }
0xd7: {  	_ =	swait.ge [sflag:s20], $0x8000  }
0xd8: {  	[sflag:s20] =	ssyncset.done $0x0  }
0xd9: {  	s9 =	rddreg [dreg:$0x8];
	[sflag:s20] =	ssyncadd.s32 $0xFFFF8000  }
0xda: {  	[hbm4b:s9+s3] =	stream.linear.scatter [tilespmem:s18], [sflag:$0x4], $0x8000, $0x38;
	[tilespmem:$0x10080] =	vst v63  }
0xdb: {  	p0 =	sne.s32 s7, $0x1;
	_ =	swait.ge [sflag:s19], $0x8000  }
.Ltmp0:
0xdc: {  	[sflag:s19] =	ssyncset.done $0x0;
	(pc) =	sbr.rel @p0 .LBB2_1-.Ltmp0, $4  }
0xdd: {  	[sflag:s19] =	ssyncadd.s32 $0xFFFF8000  }
0xde: {  	_ =	swait.ge [sflag:s21], $0x8000  }
0xdf: {  	[sflag:s21] =	ssyncset.done $0x0  }
0xe0: {  	s7 =	sadd.s32 $0xFFFFFFFF, s7;
	[sflag:s21] =	ssyncadd.s32 $0xFFFF8000  }
0xe1: {  	_ =	sfence.sel $0x180000  }
0xe2: {  	[bflag:$0x0] =	sbarrier.arrive $0xFFFF  }
0xe3: {  	_ =	strace $0x90000047  }
0xe4: {  	s0 =	stileid.u32;
	[bflag:$0x2] =	sbarrier.arrive $0xFFFF  }
0xe5: {  	p0 =	sne.s32 s0, $0x0;
	s0 =	rddreg [dreg:$0x3]  }
0xe6: {  	s0 =	sadd.s32 @!p0 $0x100000, s0  }
0xe7: {  	[sflag:s0] =	ssyncadd.tile.s32 @!p0 $0x1;
	_ =	shalt  }
.Lfunc_end2:
_tile_overlayer_lowered:
.L_overlay_start_2:
0xe8: {  	(tag) =	ssettag $0x2  }
0xe9: {  	s0 =	rddreg [dreg:$0x0];
	s2 =	stileid.u32  }
0xea: {  	s1 =	rddreg [dreg:$0x1];
	p0 =	sne.s32 s2, $0x0  }
0xeb: {  	s3 =	rddreg [dreg:$0x2];
	[bflag:$0x3] =	sbarrier.arrive $0xFFFF;
	s2 =	simm.s32 @!p0 $0x1C05  }
0xec: {  	[timem:s3], [sflag:s2] =	dma.local @!p0 [hbm:s0], s1  }
0xed: {  	s0 =	simm.s32 @!p0 $0x5  }
0xee: {  	_ =	swait.ge @!p0 [sflag:s0], s1  }
0xef: {  	s1 =	ssub.s32 @!p0 $0x0, s1;
	[sflag:s0] =	ssyncset.done @!p0 $0x0  }
0xf0: {  	[sflag:s0] =	ssyncadd.s32 @!p0 s1  }
0xf1: {  	[bflag:$0x3] =	sbarrier.arrive $0xFFFF  }
0xf2: {  	_ =	shalt  }

// kernel: kernel.9.cloned.1.call-start
scs
__scs_entry_jumppad:
0x0: {  	(pc) =	sbr.rel $0x88, $3  }
0x1: {  	(tag) =	ssettag $0x0;
	lr =	simm.s32 $0x1  }
0x2: {  	[smem:$0x3F94] =	sst lr;
	_ =	strace $0xD0000000  }
0x3: {  	_ = 	snop  }
0x4: {  	_ = 	snop  }
0x5: {  	_ = 	snop  }
0x6: {  	_ = 	snop  }
0x7: {  	_ = 	snop  }
__scs_overlays_trampoline_lowered:
0x8: {  	[smem:$0x3FA3] =	sst s0  }
0x9: {  	[smem:$0x3FA4] =	sst s1  }
0xa: {  	[smem:$0x3FA5] =	sst s2  }
0xb: {  	[smem:$0x3FA6] =	sst s3  }
0xc: {  	[smem:$0x3FA7] =	sst s4  }
0xd: {  	[smem:$0x3FA8] =	sst s5  }
0xe: {  	[smem:$0x3FA9] =	sst s6  }
0xf: {  	[smem:$0x3FAA] =	sst s7  }
0x10: {  	[smem:$0x3FAB] =	sst s8  }
0x11: {  	[smem:$0x3FAC] =	sst s9;
	s0 =	simm.s32 @!p0 $0x0  }
0x12: {  	s1 =	sld [smem:$0x3F92];
	s0 =	simm.s32 @p0 $0x1  }
0x13: {  	[smem:$0x3FAD] =	sst s0;
	s0 =	simm.s32 @!p1 $0x0  }
0x14: {  	s2 =	sld [smem:$0x3F91];
	s0 =	simm.s32 @p1 $0x1  }
0x15: {  	[smem:$0x3FAE] =	sst s0;
	s0 =	simm.s32 @!p2 $0x0  }
0x16: {  	s3 =	sld [smem:$0x3FDB];
	s0 =	simm.s32 @p2 $0x1  }
0x17: {  	s4 =	simm.s32 $0x1BF5;
	[smem:$0x3FB0] =	sst s0  }
0x18: {  	s0 =	sld [smem:$0x3F93];
	_ =	swait.ge [sflag:s4], $0x0  }
0x19: {  	s7 =	sld [smem:$0x3F94]  }
0x1a: {  	s8 =	sadd.s32 $0xFFFFE003, lr  }
0x1b: {  	s9 =	sadd.s32 $0xFFFFFEF7, lr;
	s5 =	simm.s32 $0xFFFFFFFF;
	p2 =	slt.u32 s8, $0xFFFFF086  }
0x1c: {  	p1 =	slt.u32 s9, $0xF7A;
	s5 =	simm.s32 @!p2 $0x0  }
0x1d: {  	s5 =	simm.s32 @p1 $0x1;
	p0 =	seq.s32 s7, s2  }
0x1e: {  	s7 =	smul.u32 @!p0 $0xF7A, s2;
	p2 =	seq.s32 @!p0 s5, $0x0  }
0x1f: {  	s9 =	smul.u32 $0xF7A, s1;
	s8 =	simm.s32 @!p0 $0x1BF5;
	p2 =	por !p2, p0  }
0x20: {  	[sflag:s8] =	ssyncset.s32 @!p0 $0xFFFFF086;
	s6 =	sadd.s32 @!p0 s3, s7;
	s7 =	simm.s32 @!p0 $0x108  }
0x21: {  	s3 =	sadd.s32 s3, s9;
	s6 =	sadd.s32 @!p0 $0x88, s6;
	s7 =	simm.s32 @p2 $0x1082  }
0x22: {  	[simem:s7], [sflag:s8] =	dma.local @!p0 [hbm:s6], $0xF7A  }
0x23: {  	s9 =	sor.u32 $0xD0000000, s2;
	s6 =	simm.s32 $0x108;
	_ =	swait.ge @!p0 [sflag:s8], $0x0  }
0x24: {  	s3 =	sadd.s32 $0x88, s3;
	s6 =	simm.s32 @!p1 $0x1082;
	[sflag:s4] =	ssyncset.s32 $0xFFFFF086  }
0x25: {  	[simem:s6], [sflag:s4] =	dma.local [hbm:s3], $0xF7A  }
0x26: {  	[smem:$0x3F94] =	sst s1;
	(tag) =	ssettag s2;
	_ =	strace s9  }
0x27: {  	s1 =	sld [smem:$0x3FA4]  }
0x28: {  	s2 =	sld [smem:$0x3FA5]  }
0x29: {  	s4 =	sld [smem:$0x3FA7]  }
0x2a: {  	p0 =	seq.s32 s5, $0x0;
	s5 =	sld [smem:$0x3FA8]  }
0x2b: {  	s6 =	sld [smem:$0x3FA9]  }
0x2c: {  	s7 =	sld [smem:$0x3FAA]  }
0x2d: {  	s3 =	simm.s32 $0x108;
	s8 =	sld [smem:$0x3FAB]  }
0x2e: {  	s3 =	simm.s32 @!p0 $0x1082;
	s9 =	sld [smem:$0x3FAC]  }
0x2f: {  	lr =	sadd.s32 s0, s3;
	s0 =	sld [smem:$0x3FA3]  }
0x30: {  	s3 =	sld [smem:$0x3FA6]  }
0x31: {  	[smem:$0x3FAF] =	sst s10  }
0x32: {  	s10 =	sld [smem:$0x3FAD];
	_ =	sdelay $0x3  }
0x33: {  	p0 =	seq.s32 s10, $0x1;
	s10 =	sld [smem:$0x3FAF];
	_ =	sdelay $0x3  }
0x34: {  	[smem:$0x3FAF] =	sst s10  }
0x35: {  	s10 =	sld [smem:$0x3FAE];
	_ =	sdelay $0x3  }
0x36: {  	p1 =	seq.s32 s10, $0x1;
	s10 =	sld [smem:$0x3FAF];
	_ =	sdelay $0x3  }
0x37: {  	[smem:$0x3FAF] =	sst s10  }
0x38: {  	s10 =	sld [smem:$0x3FB0]  }
0x39: {  	_ = 	snop;
	(pc) =	sbr.ind lr, $3  }
0x3a: {  	_ = 	snop  }
0x3b: {  	_ = 	snop  }
0x3c: {  	p2 =	seq.s32 s10, $0x1;
	s10 =	sld [smem:$0x3FAF]  }
0x3d: {  	_ =	shalt  }
0x3e: {  	_ =	shalt  }
0x3f: {  	_ =	shalt  }
0x40: {  	_ =	shalt  }
0x41: {  	_ =	shalt  }
0x42: {  	_ =	shalt  }
0x43: {  	_ =	shalt  }
0x44: {  	_ =	shalt  }
0x45: {  	_ =	shalt  }
0x46: {  	_ =	shalt  }
0x47: {  	_ =	shalt  }
0x48: {  	_ =	shalt  }
0x49: {  	_ =	shalt  }
0x4a: {  	_ =	shalt  }
0x4b: {  	_ =	shalt  }
0x4c: {  	_ =	shalt  }
0x4d: {  	_ =	shalt  }
0x4e: {  	_ =	shalt  }
0x4f: {  	_ =	shalt  }
0x50: {  	_ =	shalt  }
0x51: {  	_ =	shalt  }
0x52: {  	_ =	shalt  }
0x53: {  	_ =	shalt  }
0x54: {  	_ =	shalt  }
0x55: {  	_ =	shalt  }
0x56: {  	_ =	shalt  }
0x57: {  	_ =	shalt  }
0x58: {  	_ =	shalt  }
0x59: {  	_ =	shalt  }
0x5a: {  	_ =	shalt  }
0x5b: {  	_ =	shalt  }
0x5c: {  	_ =	shalt  }
0x5d: {  	_ =	shalt  }
0x5e: {  	_ =	shalt  }
0x5f: {  	_ =	shalt  }
0x60: {  	_ =	shalt  }
0x61: {  	_ =	shalt  }
0x62: {  	_ =	shalt  }
0x63: {  	_ =	shalt  }
0x64: {  	_ =	shalt  }
0x65: {  	_ =	shalt  }
0x66: {  	_ =	shalt  }
0x67: {  	_ =	shalt  }
0x68: {  	_ =	shalt  }
0x69: {  	_ =	shalt  }
0x6a: {  	_ =	shalt  }
0x6b: {  	_ =	shalt  }
0x6c: {  	_ =	shalt  }
0x6d: {  	_ =	shalt  }
0x6e: {  	_ =	shalt  }
0x6f: {  	_ =	shalt  }
0x70: {  	_ =	shalt  }
0x71: {  	_ =	shalt  }
0x72: {  	_ =	shalt  }
0x73: {  	_ =	shalt  }
0x74: {  	_ =	shalt  }
0x75: {  	_ =	shalt  }
0x76: {  	_ =	shalt  }
0x77: {  	_ =	shalt  }
0x78: {  	_ =	shalt  }
0x79: {  	_ =	shalt  }
0x7a: {  	_ =	shalt  }
0x7b: {  	_ =	shalt  }
0x7c: {  	_ =	shalt  }
0x7d: {  	_ =	shalt  }
0x7e: {  	_ =	shalt  }
0x7f: {  	_ =	shalt  }
0x80: {  	_ =	shalt  }
0x81: {  	_ =	shalt  }
0x82: {  	_ =	shalt  }
0x83: {  	_ =	shalt  }
0x84: {  	_ =	shalt  }
0x85: {  	_ =	shalt  }
0x86: {  	_ =	shalt  }
0x87: {  	_ =	shalt  }
.Lfunc_end0:
.L_simem_size_0:
called_computation.1_lowered:
.L_overlay_start_0:
0x88: {  	s2 =	sld [smem:$0x3FD9]  }
0x89: {  	s3 =	sld [smem:$0x3FFE];
	_ =	sdelay $0x1  }
0x8a: {  	s1 =	srdreg.scid  }
0x8b: {  	s0 =	sand.u32 $0x1, s1  }
0x8c: {  	s14 =	sshll.u32 s0, $0xA;
	s2 =	sadd.s32 s3, s2  }
0x8d: {  	s2 =	sadd.s32 s2, s14  }
0x8e: {  	[smem:$0x3FBB] =	sst s2  }
0x8f: {  	_ = 	snop  }
0x90: {  	s2 =	sld [smem:$0x3FD0];
	_ =	sdelay $0x2  }
0x91: {  	s15 =	simm.s32 $0xA;
	s4 =	simm.s32 $0x10  }
0x92: {  	[smem:s4], [sflag:s15] =	dma.local [hbm:s2], $0x1  }
0x93: {  	_ =	swait.eq [sflag:s15], $0x1  }
0x94: {  	[sflag:s15] =	ssyncset.done $0x0  }
0x95: {  	[sflag:s15] =	ssyncadd.s32 $0xFFFFFFFF  }
0x96: {  	s16 =	sld [smem:$0x11];
	(tm) =	ssettm $0x1  }
0x97: {  	s17 =	sld [smem:$0x3FFB];
	_ =	sdelay $0x3  }
0x98: {  	_ =	strace s17  }
0x99: {  	s3 =	sld [smem:$0x3FFC];
	_ =	sdelay $0x3  }
0x9a: {  	_ =	strace s3  }
0x9b: {  	s3 =	sld [smem:$0x3FFD];
	_ =	sdelay $0x3  }
0x9c: {  	_ =	strace s3  }
0x9d: {  	_ =	strace $0x8FFFFFFF  }
0x9e: {  	s18 =	sld [smem:$0x3FDB];
	_ =	sdelay $0x1  }
0x9f: {  	s19 =	simm.s32 $_scs_section_size  }
0xa0: {  	s5 =	simm.s32 $_size__tile_overlayer_lowered;
	s6 =	simm.s32 $_tile_overlayer_lowered  }
0xa1: {  	s22 =	simm.s32 $0x1BFF;
	s21 =	sshll.u32 s6, $0x1;
	s3 =	sadd.s32 s19, s18  }
0xa2: {  	s7 =	simm.s32 $0x0;
	s20 =	sshll.u32 s5, $0x1;
	s5 =	sadd.s32 s21, s3  }
0xa3: {  	[timem:s7], [sflag:s22] =	dma.local [hbm:s5], s20  }
0xa4: {  	_ =	swait.ge [sflag:s22], s20  }
0xa5: {  	s4 =	ssub.s32 $0x0, s20;
	[sflag:s22] =	ssyncset.done $0x0  }
0xa6: {  	[sflag:s22] =	ssyncadd.s32 s4;
	_ =	sdelay $0x1  }
0xa7: {  	s23 =	simm.s32 $0x1B8B  }
0xa8: {  	_ =	swait.ge [sflag:s23], $0x1  }
0xa9: {  	[sflag:s23] =	ssyncset.done $0x0  }
0xaa: {  	s25 =	simm.s32 $0x1B8E;
	s24 =	sld [smem:$0x3FFE];
	[sflag:s23] =	ssyncadd.s32 $0xFFFFFFFF  }
0xab: {  	s26 =	simm.s32 $execute0_lowered;
	[smem:$0x3FD2] =	sst s25  }
0xac: {  	s5 =	sshll.u32 s26, $0x1;
	_ =	strace $0x80000049;
	[dreg:$0x1] =	wrdreg $0xFFFFFFFF  }
0xad: {  	s28 =	simm.s32 $_size_execute0_lowered;
	s3 =	sadd.s32 s3, s5;
	[dreg:$0x0] =	wrdreg $0x0  }
0xae: {  	s5 =	sshll.u32 s28, $0x1;
	[dreg:$0x2] =	wrdreg s3  }
0xaf: {  	[dreg:$0x3] =	wrdreg s5  }
0xb0: {  	[dreg:$0x4] =	wrdreg $0xC0  }
0xb1: {  	_ =	task [dreg:s7], $0x5FFFF  }
0xb2: {  	[dreg:$0x1] =	wrdreg $0xFFFFFFFF  }
0xb3: {  	[dreg:$0x0] =	wrdreg $0x60  }
0xb4: {  	[dreg:$0x2] =	wrdreg s24  }
0xb5: {  	[dreg:$0x3] =	wrdreg s16  }
0xb6: {  	[dreg:$0x4] =	wrdreg $0x9  }
0xb7: {  	_ =	task.clear_ibuf [dreg:s7], $0x5FFFF;
	_ =	strace $0x90000049  }
0xb8: {  	s29 =	simm.s32 $0x9;
	_ =	strace $0x8000004B  }
0xb9: {  	_ =	swait.ge [sflag:s29], $0x1  }
0xba: {  	[sflag:s29] =	ssyncadd.s32 $0xFFFFFFFF  }
0xbb: {  	_ =	strace $0x9000004B  }
0xbc: {  	_ =	sfence  }
0xbd: {  	s30 =	sld [smem:$0x0];
	_ =	sdelay $0x2  }
0xbe: {  	s31 =	sshll.u32 s1, $0xD;
	s1 =	sshrl.u32 s1, $0x2  }
0xbf: {  	s3 =	sand.u32 $0x4000, s31;
	s1 =	sadd.s32 s1, s30  }
0xc0: {  	s0 =	sor.u32 s3, s0;
	s1 =	sshll.u32 s1, $0x11  }
0xc1: {  	s0 =	sor.u32 s1, s0  }
0xc2: {  	s0 =	sadd.s32 $0x8F2B, s0  }
0xc3: {  	[sflag:s0] =	ssyncadd.remote.s32 $0x1  }
0xc4: {  	_ =	sfence.sel $0xFFFF  }
0xc5: {  	[dreg:$0x0] =	wrdreg $0xFFFFFFFF;
	(pc) =	sbr.abs _section_cstart, $3  }
0xc6: {  	[dreg:$0x1] =	wrdreg $0xFFFFFFFF  }
0xc7: {  	_ =	task.clear_ibuf [dreg:s7], $0x2FFFF;
	_ =	strace $0x9FFFFFFF  }
0xc8: {  	(tm) =	ssettm $0x7FFFFFFF  }
0xc9: {  	_ =	shalt  }
tec
execute0_lowered:
.L_overlay_start_1:
0x0: {  	(tag) =	ssettag $0x1  }
0x1: {  	s1 =	srdreg.scid  }
0x2: {  	s0 =	stileid.u32;
	s6 =	sand.u32 $0x1, s1  }
0x3: {  	s5 =	rddreg [dreg:$0x0];
	s31 =	sshll.u32 s0, $0x8;
	s2 =	sshll.u32 s6, $0x7  }
0x4: {  	s8 =	rddreg [dreg:$0x1];
	s9 =	sor.u32 s2, s31  }
0x5: {  	s1 =	rddreg [dreg:$0x2];
	s2 =	simm.s32 $0x0;
	s3 =	sshrl.u32 s9, $0x3  }
0x6: {  	s4 =	simm.s32 $0x3;
	[smem:$0x7FF] =	sst s2;
	s3 =	sadd.s32 s3, s5  }
0x7: {  	s10 =	ssub.s32 $0x2, s6;
	_ =	strace $0x8000004A;
	s3 =	sadd.s32 $0x2800, s3  }
0x8: {  	[tilespmem:s2], [sflag:$0x3] =	stream.linear.gather [hbm4b:s3+s2], $0x80, $0x38;
	[tilespmem:$0x2080] =	vst v63  }
0x9: {  	s7 =	simm.s32 $0x1;
	s11 =	sshrl.u32 s10, $0x1;
	_ =	swait.ge [sflag:s4], $0x80  }
0xa: {  	s6 =	simm.s32 $0x80;
	s10 =	ssub.s32 s10, s11;
	[sflag:s4] =	ssyncset.done $0x0  }
0xb: {  	s5 =	sadd.s32 $0x82800, s5;
	s10 =	smax.u32 s10, $0x1;
	[sflag:s4] =	ssyncadd.s32 $0xFFFFFF80  }
0xc: {  	[tilespmem:s6], [sflag:$0x1] =	stream.indirect.gather [hbm4b:s5+s6], $0x40, s2, s6, $0xb8;
	[tilespmem:$0x2080] =	vst v63  }
0xd: {  	p0 =	sne.s32 s10, $0x1;
	_ =	swait.ge [sflag:s7], $0x2000  }
.Ltmp0:
0xe: {  	s9 =	sshll.u32 s9, $0x3;
	[sflag:s7] =	ssyncset.done $0x0;
	(pc) =	sbr.rel @!p0 .LBB2_2-.Ltmp0, $4  }
0xf: {  	s8 =	sadd.s32 s8, s9;
	s9 =	simm.s32 $0x2;
	[sflag:s7] =	ssyncadd.s32 $0xFFFFE000  }
0x10: {  	[hbm4b:s8+s2] =	stream.linear.scatter [tilespmem:s6], [sflag:$0x2], $0x2000, $0x38;
	[tilespmem:$0x2080] =	vst v63  }
0x11: {  	_ =	swait.ge [sflag:s9], $0x2000  }
0x12: {  	s10 =	sadd.s32 $0xFFFFFFFF, s10;
	[sflag:s9] =	ssyncset.done $0x0  }
.LBB2_1:
0x13: {  	p0 =	sne.s32 s10, $0x1;
	s10 =	sadd.s32 $0xFFFFFFFF, s10;
	[sflag:s9] =	ssyncadd.s32 $0xFFFFE000  }
0x14: {  	[tilespmem:s2], [sflag:$0x3] =	stream.linear.gather [hbm4b:s3+s2], $0x80, $0x38;
	[tilespmem:$0x2080] =	vst v63  }
0x15: {  	_ =	swait.ge [sflag:s4], $0x80  }
0x16: {  	[sflag:s4] =	ssyncset.done $0x0  }
0x17: {  	[sflag:s4] =	ssyncadd.s32 $0xFFFFFF80  }
0x18: {  	[tilespmem:s6], [sflag:$0x1] =	stream.indirect.gather [hbm4b:s5+s6], $0x40, s2, s6, $0xb8;
	[tilespmem:$0x2080] =	vst v63  }
0x19: {  	_ =	swait.ge [sflag:s7], $0x2000  }
.Ltmp1:
0x1a: {  	[sflag:s7] =	ssyncset.done $0x0;
	(pc) =	sbr.rel @p0 .LBB2_1-.Ltmp1, $4  }
0x1b: {  	[sflag:s7] =	ssyncadd.s32 $0xFFFFE000  }
0x1c: {  	[hbm4b:s8+s2] =	stream.linear.scatter [tilespmem:s6], [sflag:$0x2], $0x2000, $0x38;
	[tilespmem:$0x2080] =	vst v63  }
0x1d: {  	_ =	swait.ge [sflag:s9], $0x2000  }
0x1e: {  	[sflag:s9] =	ssyncset.done $0x0  }
.LBB2_2:
0x1f: {  	[sflag:s9] =	ssyncadd.s32 $0xFFFFE000  }
0x20: {  	_ =	sfence.sel $0x180000  }
0x21: {  	[bflag:$0x0] =	sbarrier.arrive $0xFFFF  }
0x22: {  	p0 =	sne.s32 s0, $0x0;
	_ =	strace $0x9000004A  }
0x23: {  	s0 =	sadd.s32 @!p0 $0x100000, s1;
	[bflag:$0x2] =	sbarrier.arrive $0xFFFF  }
0x24: {  	[sflag:s0] =	ssyncadd.tile.s32 @!p0 $0x1;
	_ =	shalt  }
.Lfunc_end2:
_tile_overlayer_lowered:
.L_overlay_start_2:
0x25: {  	(tag) =	ssettag $0x2  }
0x26: {  	s0 =	rddreg [dreg:$0x0];
	s2 =	stileid.u32  }
0x27: {  	s1 =	rddreg [dreg:$0x1];
	p0 =	sne.s32 s2, $0x0  }
0x28: {  	s3 =	rddreg [dreg:$0x2];
	[bflag:$0x3] =	sbarrier.arrive $0xFFFF;
	s2 =	simm.s32 @!p0 $0x1C03  }
0x29: {  	[timem:s3], [sflag:s2] =	dma.local @!p0 [hbm:s0], s1  }
0x2a: {  	s0 =	simm.s32 @!p0 $0x3  }
0x2b: {  	_ =	swait.ge @!p0 [sflag:s0], s1  }
0x2c: {  	s1 =	ssub.s32 @!p0 $0x0, s1;
	[sflag:s0] =	ssyncset.done @!p0 $0x0  }
0x2d: {  	[sflag:s0] =	ssyncadd.s32 @!p0 s1  }
0x2e: {  	[bflag:$0x3] =	sbarrier.arrive $0xFFFF  }
0x2f: {  	_ =	shalt  }

</sc_bundles>
